<compile_context>
chip_gen: v7x
topology: tpu7x:2x2x1
jax: 0.10.2.dev20260603
libtpu: 0.0.44.dev20260713+nightly
codegen_flags: <defaults>
</compile_context>

<pallas_src>
import functools
import jax
import jax.numpy as jnp
from jax import lax
from jax.experimental import pallas as pl
from jax.experimental.pallas import tpu as pltpu
from jax.experimental.pallas import tpu_sc as plsc

_NSUB = 16
_L = 16
_BIG = 3.0e38


def _splat(v):
    return jnp.full((_L,), v, jnp.float32)


def _perm(x, idx):
    return x.at[idx].get(mode="promise_in_bounds")


def _lane_all(x, op):
    iota = lax.iota(jnp.int32, _L)
    for k in (8, 4, 2, 1):
        x = op(x, _perm(x, jnp.bitwise_xor(iota, k)))
    return x


def _bcast_lane(vec, lane):
    return _perm(vec, jnp.full((_L,), lane, jnp.int32))


def _sc_chamfer(sx, sy, sz, tx, ty, tz, rows_out, cols_out,
                txv, tyv, tzv, sxv, syv, szv, colv, iobuf):
    cid = lax.axis_index("c")
    sid = lax.axis_index("s")
    n = tx.shape[1]
    chunk = n // (2 * _NSUB)
    base = (cid * _NSUB + sid) * chunk
    nvec = n // _L
    groups = chunk // 4
    b = 3

    pltpu.sync_copy(tx.at[b], txv)
    pltpu.sync_copy(ty.at[b], tyv)
    pltpu.sync_copy(tz.at[b], tzv)
    pltpu.sync_copy(sx.at[b, pl.ds(base, chunk)], sxv)
    pltpu.sync_copy(sy.at[b, pl.ds(base, chunk)], syv)
    pltpu.sync_copy(sz.at[b, pl.ds(base, chunk)], szv)

    def init_col(j, carry):
        colv[pl.ds(j * _L, _L)] = _splat(_BIG)
        return carry

    lax.fori_loop(0, nvec, init_col, 0)

    def src_group(g, rs):
        i0 = g * 4
        cbase = (i0 // _L) * _L
        off = i0 % _L
        sxc = sxv[pl.ds(cbase, _L)]
        syc = syv[pl.ds(cbase, _L)]
        szc = szv[pl.ds(cbase, _L)]

        s_coords = []
        for c in range(4):
            lane = off + c
            s_coords.append((_bcast_lane(sxc, lane),
                             _bcast_lane(syc, lane),
                             _bcast_lane(szc, lane)))

        def sweep(j, mins):
            o = j * _L
            txr = txv[pl.ds(o, _L)]
            tyr = tyv[pl.ds(o, _L)]
            tzr = tzv[pl.ds(o, _L)]
            ds = []
            new_mins = []
            for c in range(4):
                cx, cy, cz = s_coords[c]
                dx = cx - txr
                dy = cy - tyr
                dz = cz - tzr
                d = dx * dx + dy * dy + dz * dz
                ds.append(d)
                new_mins.append(jnp.minimum(mins[c], d))
            dmin = jnp.minimum(jnp.minimum(ds[0], ds[1]),
                               jnp.minimum(ds[2], ds[3]))
            colv[pl.ds(o, _L)] = jnp.minimum(colv[pl.ds(o, _L)], dmin)
            return tuple(new_mins)

        mins = plsc.parallel_loop(
            0, nvec, unroll=4,
            carry=(_splat(_BIG), _splat(_BIG), _splat(_BIG), _splat(_BIG)),
        )(sweep)
        for c in range(4):
            rs = rs + _lane_all(mins[c], jnp.minimum)
        return rs

    rs = lax.fori_loop(0, groups, src_group, _splat(0.0))

    iobuf[...] = rs
    pltpu.sync_copy(iobuf, rows_out.at[cid, sid])
    pltpu.sync_copy(colv, cols_out.at[cid, sid])


def _tc_pair_kernel(src_ref, tgt_ref, out_src_ref, out_dst_ref):
    b = pl.program_id(0)

    s = src_ref[0]
    t = tgt_ref[0]
    tt = t.T

    sx = s[:, 0:1]
    sy = s[:, 1:2]
    sz = s[:, 2:3]
    tx = tt[0:1, :]
    ty = tt[1:2, :]
    tz = tt[2:3, :]

    dx = sx - tx
    dy = sy - ty
    dz = sz - tz
    dist = dx * dx + dy * dy + dz * dz

    row_min = jnp.min(dist, axis=1, keepdims=True)
    col_min = jnp.min(dist, axis=0, keepdims=True)

    src_sum = jnp.sum(row_min, axis=0, keepdims=True)
    dst_sum = jnp.sum(col_min, axis=1, keepdims=True)

    @pl.when(b == 0)
    def _init():
        out_src_ref[...] = jnp.zeros_like(out_src_ref)
        out_dst_ref[...] = jnp.zeros_like(out_dst_ref)

    out_src_ref[...] += src_sum
    out_dst_ref[...] += dst_sum


def _merge_kernel(tc_src_ref, tc_dst_ref, rows_ref, cols_ref,
                  out_src_ref, out_dst_ref, *, total_src, total_dst):
    rows = rows_ref[...]
    cols = cols_ref[...]

    sc_rows = jnp.sum(rows[:, :, 0:1])
    merged = jnp.min(cols, axis=(0, 1))
    sc_cols = jnp.sum(merged)

    out_src_ref[...] = (tc_src_ref[...] + sc_rows) * (1.0 / total_src)
    out_dst_ref[...] = (tc_dst_ref[...] + sc_cols) * (1.0 / total_dst)


def kernel(source, target):
    B, N, _ = source.shape
    M = target.shape[1]

    sx = source[:, :, 0]
    sy = source[:, :, 1]
    sz = source[:, :, 2]
    tx = target[:, :, 0]
    ty = target[:, :, 1]
    tz = target[:, :, 2]

    mesh = plsc.VectorSubcoreMesh(core_axis_name="c", subcore_axis_name="s")
    sc_call = pl.kernel(
        _sc_chamfer,
        mesh=mesh,
        out_type=[
            jax.ShapeDtypeStruct((2, _NSUB, _L), jnp.float32),
            jax.ShapeDtypeStruct((2, _NSUB, M), jnp.float32),
        ],
        scratch_types=[
            pltpu.VMEM((M,), jnp.float32),
            pltpu.VMEM((M,), jnp.float32),
            pltpu.VMEM((M,), jnp.float32),
            pltpu.VMEM((N // (2 * _NSUB),), jnp.float32),
            pltpu.VMEM((N // (2 * _NSUB),), jnp.float32),
            pltpu.VMEM((N // (2 * _NSUB),), jnp.float32),
            pltpu.VMEM((M,), jnp.float32),
            pltpu.VMEM((_L,), jnp.float32),
        ],
    )
    sc_rows, sc_cols = sc_call(sx, sy, sz, tx, ty, tz)

    tc_src, tc_dst = pl.pallas_call(
        _tc_pair_kernel,
        grid=(3,),
        in_specs=[
            pl.BlockSpec((1, N, 3), lambda b: (b, 0, 0)),
            pl.BlockSpec((1, M, 3), lambda b: (b, 0, 0)),
        ],
        out_specs=[
            pl.BlockSpec((1, 1), lambda b: (0, 0)),
            pl.BlockSpec((1, 1), lambda b: (0, 0)),
        ],
        out_shape=[
            jax.ShapeDtypeStruct((1, 1), jnp.float32),
            jax.ShapeDtypeStruct((1, 1), jnp.float32),
        ],
    )(source[:3], target[:3])

    out_src, out_dst = pl.pallas_call(
        functools.partial(_merge_kernel,
                          total_src=float(B * N), total_dst=float(B * M)),
        out_shape=[
            jax.ShapeDtypeStruct((1, 1), jnp.float32),
            jax.ShapeDtypeStruct((1, 1), jnp.float32),
        ],
    )(tc_src, tc_dst, sc_rows, sc_cols)

    return (out_src[0, 0], out_dst[0, 0])

# --- scband reference (transcript-rebuilt; emitter-appended) ---
"""Pipeline reference for scband-chamfer-distance-29910152250052 (READ-ONLY COPY).

The authoritative reference and input builder live on the scoring server;
editing this copy changes nothing except your own understanding.
"""

import jax, jax.numpy as jnp
import numpy as np


def setup_inputs(seed: int = 0) -> dict:
    key = jax.random.key(seed)
    k1, k2 = jax.random.split(key)
    source = jax.random.normal(k1, (4, 2048, 3), dtype=jnp.float32)
    target = jax.random.normal(k2, (4, 2048, 3), dtype=jnp.float32)
    return {"source": source, "target": target}


def reference(source, target):
    # ChamferDistance forward with mode='l2', reduction='mean',
    # src_weight=dst_weight=1.0, loss_src_weight=loss_dst_weight=1.0,
    # return_indices=False.
    # l2 mode uses mse_loss(reduction='none') = elementwise squared diff.
    diff = source[:, :, None, :] - target[:, None, :, :]  # [B, N, M, C]
    distance = jnp.sum(diff * diff, axis=-1)  # [B, N, M]
    src2dst_distance = jnp.min(distance, axis=2)  # [B, N]
    dst2src_distance = jnp.min(distance, axis=1)  # [B, M]
    loss_src = src2dst_distance * 1.0  # src_weight
    loss_dst = dst2src_distance * 1.0  # dst_weight
    loss_src = jnp.mean(loss_src)
    loss_dst = jnp.mean(loss_dst)
    loss_src = loss_src * 1.0  # loss_src_weight
    loss_dst = loss_dst * 1.0  # loss_dst_weight
    return (loss_src, loss_dst)

if __name__ == "__main__":
    import jax
    _d = setup_inputs()
    print(jax.jit(kernel)(*tuple(_d.values())))

</pallas_src>

<mosaic_0001>
#map = affine_map<(d0, d1) -> (0, 0)>
#map1 = affine_map<(d0, d1) -> (0, 0, 0)>
module attributes {stable_mosaic.version = 14 : i64} {
  func.func @_sc_chamfer(%arg0: i32, %arg1: i32, %arg2: memref<4x2048xf32, #tpu.memory_space<hbm>>, %arg3: memref<4x2048xf32, #tpu.memory_space<hbm>>, %arg4: memref<4x2048xf32, #tpu.memory_space<hbm>>, %arg5: memref<4x2048xf32, #tpu.memory_space<hbm>>, %arg6: memref<4x2048xf32, #tpu.memory_space<hbm>>, %arg7: memref<4x2048xf32, #tpu.memory_space<hbm>>, %arg8: memref<2x16x16xf32, #tpu.memory_space<hbm>>, %arg9: memref<2x16x2048xf32, #tpu.memory_space<hbm>>, %arg10: memref<2048xf32, #tpu.memory_space<vmem>>, %arg11: memref<2048xf32, #tpu.memory_space<vmem>>, %arg12: memref<2048xf32, #tpu.memory_space<vmem>>, %arg13: memref<64xf32, #tpu.memory_space<vmem>>, %arg14: memref<64xf32, #tpu.memory_space<vmem>>, %arg15: memref<64xf32, #tpu.memory_space<vmem>>, %arg16: memref<2048xf32, #tpu.memory_space<vmem>>, %arg17: memref<16xf32, #tpu.memory_space<vmem>>) attributes {dimension_semantics = [#tpu.dimension_semantics<core_parallel>, #tpu.dimension_semantics<subcore_parallel>], iteration_bounds = array<i64: 2, 16>, scalar_prefetch = 0 : i64, scratch_operands = 8 : i64, tpu.core_type = #tpu.core_type<sc_vector_subcore>, window_params = [{transform_indices = #map}, {transform_indices = #map}, {transform_indices = #map}, {transform_indices = #map}, {transform_indices = #map}, {transform_indices = #map}, {transform_indices = #map1}, {transform_indices = #map1}]} {
    %mul3A = arith.constant 16 : i32
    %mul3A_0 = arith.muli %arg0, %mul3A : i32
    %add3A = arith.addi %mul3A_0, %arg1 : i32
    %mul3A_1 = arith.constant 64 : i32
    %mul3A_2 = arith.muli %add3A, %mul3A_1 : i32
    %run_scoped3A = arith.constant 3 : i32
    "tpu.region"() ({
      %run_scoped3A_23 = tpu.sem_alloc : memref<!tpu.dma_semaphore, #tpu.memory_space<semaphore_mem>>
      %dma_start3A = arith.constant 0 : i32
      %dma_start3A_24 = tpu.memref_slice %arg5[%run_scoped3A, %dma_start3A] : memref<4x2048xf32, #tpu.memory_space<hbm>> -> memref<1x2048xf32, #tpu.memory_space<hbm>>
      %dma_start3A_25 = tpu.memref_squeeze %dma_start3A_24 : memref<1x2048xf32, #tpu.memory_space<hbm>> -> memref<2048xf32, #tpu.memory_space<hbm>>
      %dma_start3A_26 = arith.constant 0 : i32
      %dma_start3A_27 = tpu.memref_slice %arg5[%run_scoped3A, %dma_start3A_26] : memref<4x2048xf32, #tpu.memory_space<hbm>> -> memref<1x2048xf32, #tpu.memory_space<hbm>>
      %dma_start3A_28 = tpu.memref_squeeze %dma_start3A_27 : memref<1x2048xf32, #tpu.memory_space<hbm>> -> memref<2048xf32, #tpu.memory_space<hbm>>
      tpu.enqueue_dma source(%dma_start3A_28 : memref<2048xf32, #tpu.memory_space<hbm>>) target(%arg10 : memref<2048xf32, #tpu.memory_space<vmem>>) target_semaphore(%run_scoped3A_23 : memref<!tpu.dma_semaphore, #tpu.memory_space<semaphore_mem>>)
      %dma_wait3A = arith.constant 0 : i32
      %dma_wait3A_29 = tpu.memref_slice %arg5[%run_scoped3A, %dma_wait3A] : memref<4x2048xf32, #tpu.memory_space<hbm>> -> memref<1x2048xf32, #tpu.memory_space<hbm>>
      %dma_wait3A_30 = tpu.memref_squeeze %dma_wait3A_29 : memref<1x2048xf32, #tpu.memory_space<hbm>> -> memref<2048xf32, #tpu.memory_space<hbm>>
      %dma_wait3A_31 = arith.constant 0 : i32
      %dma_wait3A_32 = tpu.memref_slice %arg5[%run_scoped3A, %dma_wait3A_31] : memref<4x2048xf32, #tpu.memory_space<hbm>> -> memref<1x2048xf32, #tpu.memory_space<hbm>>
      %dma_wait3A_33 = tpu.memref_squeeze %dma_wait3A_32 : memref<1x2048xf32, #tpu.memory_space<hbm>> -> memref<2048xf32, #tpu.memory_space<hbm>>
      tpu.wait_dma2 semaphore(%run_scoped3A_23 : memref<!tpu.dma_semaphore, #tpu.memory_space<semaphore_mem>>) src(%dma_wait3A_33 : memref<2048xf32, #tpu.memory_space<hbm>>) dst(%arg10 : memref<2048xf32, #tpu.memory_space<vmem>>)
      tpu.yield
    }) : () -> ()
    %run_scoped3A_3 = arith.constant 3 : i32
    "tpu.region"() ({
      %run_scoped3A_23 = tpu.sem_alloc : memref<!tpu.dma_semaphore, #tpu.memory_space<semaphore_mem>>
      %dma_start3A = arith.constant 0 : i32
      %dma_start3A_24 = tpu.memref_slice %arg6[%run_scoped3A_3, %dma_start3A] : memref<4x2048xf32, #tpu.memory_space<hbm>> -> memref<1x2048xf32, #tpu.memory_space<hbm>>
      %dma_start3A_25 = tpu.memref_squeeze %dma_start3A_24 : memref<1x2048xf32, #tpu.memory_space<hbm>> -> memref<2048xf32, #tpu.memory_space<hbm>>
      %dma_start3A_26 = arith.constant 0 : i32
      %dma_start3A_27 = tpu.memref_slice %arg6[%run_scoped3A_3, %dma_start3A_26] : memref<4x2048xf32, #tpu.memory_space<hbm>> -> memref<1x2048xf32, #tpu.memory_space<hbm>>
      %dma_start3A_28 = tpu.memref_squeeze %dma_start3A_27 : memref<1x2048xf32, #tpu.memory_space<hbm>> -> memref<2048xf32, #tpu.memory_space<hbm>>
      tpu.enqueue_dma source(%dma_start3A_28 : memref<2048xf32, #tpu.memory_space<hbm>>) target(%arg11 : memref<2048xf32, #tpu.memory_space<vmem>>) target_semaphore(%run_scoped3A_23 : memref<!tpu.dma_semaphore, #tpu.memory_space<semaphore_mem>>)
      %dma_wait3A = arith.constant 0 : i32
      %dma_wait3A_29 = tpu.memref_slice %arg6[%run_scoped3A_3, %dma_wait3A] : memref<4x2048xf32, #tpu.memory_space<hbm>> -> memref<1x2048xf32, #tpu.memory_space<hbm>>
      %dma_wait3A_30 = tpu.memref_squeeze %dma_wait3A_29 : memref<1x2048xf32, #tpu.memory_space<hbm>> -> memref<2048xf32, #tpu.memory_space<hbm>>
      %dma_wait3A_31 = arith.constant 0 : i32
      %dma_wait3A_32 = tpu.memref_slice %arg6[%run_scoped3A_3, %dma_wait3A_31] : memref<4x2048xf32, #tpu.memory_space<hbm>> -> memref<1x2048xf32, #tpu.memory_space<hbm>>
      %dma_wait3A_33 = tpu.memref_squeeze %dma_wait3A_32 : memref<1x2048xf32, #tpu.memory_space<hbm>> -> memref<2048xf32, #tpu.memory_space<hbm>>
      tpu.wait_dma2 semaphore(%run_scoped3A_23 : memref<!tpu.dma_semaphore, #tpu.memory_space<semaphore_mem>>) src(%dma_wait3A_33 : memref<2048xf32, #tpu.memory_space<hbm>>) dst(%arg11 : memref<2048xf32, #tpu.memory_space<vmem>>)
      tpu.yield
    }) : () -> ()
    %run_scoped3A_4 = arith.constant 3 : i32
    "tpu.region"() ({
      %run_scoped3A_23 = tpu.sem_alloc : memref<!tpu.dma_semaphore, #tpu.memory_space<semaphore_mem>>
      %dma_start3A = arith.constant 0 : i32
      %dma_start3A_24 = tpu.memref_slice %arg7[%run_scoped3A_4, %dma_start3A] : memref<4x2048xf32, #tpu.memory_space<hbm>> -> memref<1x2048xf32, #tpu.memory_space<hbm>>
      %dma_start3A_25 = tpu.memref_squeeze %dma_start3A_24 : memref<1x2048xf32, #tpu.memory_space<hbm>> -> memref<2048xf32, #tpu.memory_space<hbm>>
      %dma_start3A_26 = arith.constant 0 : i32
      %dma_start3A_27 = tpu.memref_slice %arg7[%run_scoped3A_4, %dma_start3A_26] : memref<4x2048xf32, #tpu.memory_space<hbm>> -> memref<1x2048xf32, #tpu.memory_space<hbm>>
      %dma_start3A_28 = tpu.memref_squeeze %dma_start3A_27 : memref<1x2048xf32, #tpu.memory_space<hbm>> -> memref<2048xf32, #tpu.memory_space<hbm>>
      tpu.enqueue_dma source(%dma_start3A_28 : memref<2048xf32, #tpu.memory_space<hbm>>) target(%arg12 : memref<2048xf32, #tpu.memory_space<vmem>>) target_semaphore(%run_scoped3A_23 : memref<!tpu.dma_semaphore, #tpu.memory_space<semaphore_mem>>)
      %dma_wait3A = arith.constant 0 : i32
      %dma_wait3A_29 = tpu.memref_slice %arg7[%run_scoped3A_4, %dma_wait3A] : memref<4x2048xf32, #tpu.memory_space<hbm>> -> memref<1x2048xf32, #tpu.memory_space<hbm>>
      %dma_wait3A_30 = tpu.memref_squeeze %dma_wait3A_29 : memref<1x2048xf32, #tpu.memory_space<hbm>> -> memref<2048xf32, #tpu.memory_space<hbm>>
      %dma_wait3A_31 = arith.constant 0 : i32
      %dma_wait3A_32 = tpu.memref_slice %arg7[%run_scoped3A_4, %dma_wait3A_31] : memref<4x2048xf32, #tpu.memory_space<hbm>> -> memref<1x2048xf32, #tpu.memory_space<hbm>>
      %dma_wait3A_33 = tpu.memref_squeeze %dma_wait3A_32 : memref<1x2048xf32, #tpu.memory_space<hbm>> -> memref<2048xf32, #tpu.memory_space<hbm>>
      tpu.wait_dma2 semaphore(%run_scoped3A_23 : memref<!tpu.dma_semaphore, #tpu.memory_space<semaphore_mem>>) src(%dma_wait3A_33 : memref<2048xf32, #tpu.memory_space<hbm>>) dst(%arg12 : memref<2048xf32, #tpu.memory_space<vmem>>)
      tpu.yield
    }) : () -> ()
    %run_scoped3A_5 = arith.constant 3 : i32
    "tpu.region"() ({
      %run_scoped3A_23 = tpu.sem_alloc : memref<!tpu.dma_semaphore, #tpu.memory_space<semaphore_mem>>
      %dma_start3A = tpu.memref_slice %arg2[%run_scoped3A_5, %mul3A_2] : memref<4x2048xf32, #tpu.memory_space<hbm>> -> memref<1x64xf32, #tpu.memory_space<hbm>>
      %dma_start3A_24 = tpu.memref_squeeze %dma_start3A : memref<1x64xf32, #tpu.memory_space<hbm>> -> memref<64xf32, #tpu.memory_space<hbm>>
      %dma_start3A_25 = tpu.memref_slice %arg2[%run_scoped3A_5, %mul3A_2] : memref<4x2048xf32, #tpu.memory_space<hbm>> -> memref<1x64xf32, #tpu.memory_space<hbm>>
      %dma_start3A_26 = tpu.memref_squeeze %dma_start3A_25 : memref<1x64xf32, #tpu.memory_space<hbm>> -> memref<64xf32, #tpu.memory_space<hbm>>
      tpu.enqueue_dma source(%dma_start3A_26 : memref<64xf32, #tpu.memory_space<hbm>>) target(%arg13 : memref<64xf32, #tpu.memory_space<vmem>>) target_semaphore(%run_scoped3A_23 : memref<!tpu.dma_semaphore, #tpu.memory_space<semaphore_mem>>)
      %dma_wait3A = tpu.memref_slice %arg2[%run_scoped3A_5, %mul3A_2] : memref<4x2048xf32, #tpu.memory_space<hbm>> -> memref<1x64xf32, #tpu.memory_space<hbm>>
      %dma_wait3A_27 = tpu.memref_squeeze %dma_wait3A : memref<1x64xf32, #tpu.memory_space<hbm>> -> memref<64xf32, #tpu.memory_space<hbm>>
      %dma_wait3A_28 = tpu.memref_slice %arg2[%run_scoped3A_5, %mul3A_2] : memref<4x2048xf32, #tpu.memory_space<hbm>> -> memref<1x64xf32, #tpu.memory_space<hbm>>
      %dma_wait3A_29 = tpu.memref_squeeze %dma_wait3A_28 : memref<1x64xf32, #tpu.memory_space<hbm>> -> memref<64xf32, #tpu.memory_space<hbm>>
      tpu.wait_dma2 semaphore(%run_scoped3A_23 : memref<!tpu.dma_semaphore, #tpu.memory_space<semaphore_mem>>) src(%dma_wait3A_29 : memref<64xf32, #tpu.memory_space<hbm>>) dst(%arg13 : memref<64xf32, #tpu.memory_space<vmem>>)
      tpu.yield
    }) : () -> ()
    %run_scoped3A_6 = arith.constant 3 : i32
    "tpu.region"() ({
      %run_scoped3A_23 = tpu.sem_alloc : memref<!tpu.dma_semaphore, #tpu.memory_space<semaphore_mem>>
      %dma_start3A = tpu.memref_slice %arg3[%run_scoped3A_6, %mul3A_2] : memref<4x2048xf32, #tpu.memory_space<hbm>> -> memref<1x64xf32, #tpu.memory_space<hbm>>
      %dma_start3A_24 = tpu.memref_squeeze %dma_start3A : memref<1x64xf32, #tpu.memory_space<hbm>> -> memref<64xf32, #tpu.memory_space<hbm>>
      %dma_start3A_25 = tpu.memref_slice %arg3[%run_scoped3A_6, %mul3A_2] : memref<4x2048xf32, #tpu.memory_space<hbm>> -> memref<1x64xf32, #tpu.memory_space<hbm>>
      %dma_start3A_26 = tpu.memref_squeeze %dma_start3A_25 : memref<1x64xf32, #tpu.memory_space<hbm>> -> memref<64xf32, #tpu.memory_space<hbm>>
      tpu.enqueue_dma source(%dma_start3A_26 : memref<64xf32, #tpu.memory_space<hbm>>) target(%arg14 : memref<64xf32, #tpu.memory_space<vmem>>) target_semaphore(%run_scoped3A_23 : memref<!tpu.dma_semaphore, #tpu.memory_space<semaphore_mem>>)
      %dma_wait3A = tpu.memref_slice %arg3[%run_scoped3A_6, %mul3A_2] : memref<4x2048xf32, #tpu.memory_space<hbm>> -> memref<1x64xf32, #tpu.memory_space<hbm>>
      %dma_wait3A_27 = tpu.memref_squeeze %dma_wait3A : memref<1x64xf32, #tpu.memory_space<hbm>> -> memref<64xf32, #tpu.memory_space<hbm>>
      %dma_wait3A_28 = tpu.memref_slice %arg3[%run_scoped3A_6, %mul3A_2] : memref<4x2048xf32, #tpu.memory_space<hbm>> -> memref<1x64xf32, #tpu.memory_space<hbm>>
      %dma_wait3A_29 = tpu.memref_squeeze %dma_wait3A_28 : memref<1x64xf32, #tpu.memory_space<hbm>> -> memref<64xf32, #tpu.memory_space<hbm>>
      tpu.wait_dma2 semaphore(%run_scoped3A_23 : memref<!tpu.dma_semaphore, #tpu.memory_space<semaphore_mem>>) src(%dma_wait3A_29 : memref<64xf32, #tpu.memory_space<hbm>>) dst(%arg14 : memref<64xf32, #tpu.memory_space<vmem>>)
      tpu.yield
    }) : () -> ()
    %run_scoped3A_7 = arith.constant 3 : i32
    "tpu.region"() ({
      %run_scoped3A_23 = tpu.sem_alloc : memref<!tpu.dma_semaphore, #tpu.memory_space<semaphore_mem>>
      %dma_start3A = tpu.memref_slice %arg4[%run_scoped3A_7, %mul3A_2] : memref<4x2048xf32, #tpu.memory_space<hbm>> -> memref<1x64xf32, #tpu.memory_space<hbm>>
      %dma_start3A_24 = tpu.memref_squeeze %dma_start3A : memref<1x64xf32, #tpu.memory_space<hbm>> -> memref<64xf32, #tpu.memory_space<hbm>>
      %dma_start3A_25 = tpu.memref_slice %arg4[%run_scoped3A_7, %mul3A_2] : memref<4x2048xf32, #tpu.memory_space<hbm>> -> memref<1x64xf32, #tpu.memory_space<hbm>>
      %dma_start3A_26 = tpu.memref_squeeze %dma_start3A_25 : memref<1x64xf32, #tpu.memory_space<hbm>> -> memref<64xf32, #tpu.memory_space<hbm>>
      tpu.enqueue_dma source(%dma_start3A_26 : memref<64xf32, #tpu.memory_space<hbm>>) target(%arg15 : memref<64xf32, #tpu.memory_space<vmem>>) target_semaphore(%run_scoped3A_23 : memref<!tpu.dma_semaphore, #tpu.memory_space<semaphore_mem>>)
      %dma_wait3A = tpu.memref_slice %arg4[%run_scoped3A_7, %mul3A_2] : memref<4x2048xf32, #tpu.memory_space<hbm>> -> memref<1x64xf32, #tpu.memory_space<hbm>>
      %dma_wait3A_27 = tpu.memref_squeeze %dma_wait3A : memref<1x64xf32, #tpu.memory_space<hbm>> -> memref<64xf32, #tpu.memory_space<hbm>>
      %dma_wait3A_28 = tpu.memref_slice %arg4[%run_scoped3A_7, %mul3A_2] : memref<4x2048xf32, #tpu.memory_space<hbm>> -> memref<1x64xf32, #tpu.memory_space<hbm>>
      %dma_wait3A_29 = tpu.memref_squeeze %dma_wait3A_28 : memref<1x64xf32, #tpu.memory_space<hbm>> -> memref<64xf32, #tpu.memory_space<hbm>>
      tpu.wait_dma2 semaphore(%run_scoped3A_23 : memref<!tpu.dma_semaphore, #tpu.memory_space<semaphore_mem>>) src(%dma_wait3A_29 : memref<64xf32, #tpu.memory_space<hbm>>) dst(%arg15 : memref<64xf32, #tpu.memory_space<vmem>>)
      tpu.yield
    }) : () -> ()
    %scan3A = arith.constant 0 : i32
    %scan3A_8 = arith.constant 0 : i32
    %scan3A_9 = arith.constant 128 : i32
    %scan3A_10 = arith.addi %scan3A_8, %scan3A_9 : i32
    %scan3A_11 = arith.constant 1 : i32
    scf.for %scan3A_23 = %scan3A_8 to %scan3A_10 step %scan3A_11  : i32 {
      %broadcast_in_dim3A_24 = arith.constant 3.000000e+38 : f32
      %broadcast_in_dim3A_25 = vector.broadcast %broadcast_in_dim3A_24 : f32 to vector<16xf32>
      %mul3A_26 = arith.constant 16 : i32
      %mul3A_27 = arith.muli %scan3A_23, %mul3A_26 : i32
      %swap3A_28 = arith.index_cast %mul3A_27 : i32 to index
      %swap3A_29 = tpu.vector_load %arg16[%swap3A_28] {strides = array<i32>} : memref<2048xf32, #tpu.memory_space<vmem>>, vector<16xf32>,
      %swap3A_30 = vector.shape_cast %swap3A_29 : vector<16xf32> to vector<16xf32>
      %swap3A_31 = vector.shape_cast %broadcast_in_dim3A_25 : vector<16xf32> to vector<16xf32>
      tpu.vector_store %arg16[%swap3A_28], %swap3A_31 {strides = array<i32>} : memref<2048xf32, #tpu.memory_space<vmem>>, vector<16xf32>,
    }
    %scan3A_12 = arith.constant 128 : i32
    %broadcast_in_dim3A = arith.constant 0.000000e+00 : f32
    %broadcast_in_dim3A_13 = vector.broadcast %broadcast_in_dim3A : f32 to vector<16xf32>
    %scan3A_14 = arith.constant 0 : i32
    %scan3A_15 = arith.constant 16 : i32
    %scan3A_16 = arith.addi %scan3A_14, %scan3A_15 : i32
    %scan3A_17 = arith.constant 1 : i32
    %scan3A_18 = scf.for %scan3A_23 = %scan3A_14 to %scan3A_16 step %scan3A_17 iter_args(%scan3A_24 = %broadcast_in_dim3A_13) -> (vector<16xf32>)  : i32 {
      %mul3A_25 = arith.constant 4 : i32
      %mul3A_26 = arith.muli %scan3A_23, %mul3A_25 : i32
      %jit3A = arith.constant 16 : i32
      %div3A = arith.divsi %mul3A_26, %jit3A : i32
      %sign3A = arith.constant 0 : i32
      %sign3A_27 = arith.cmpi sgt, %mul3A_26, %sign3A : i32
      %sign3A_28 = arith.extui %sign3A_27 : i1 to i32
      %sign3A_29 = arith.constant 0 : i32
      %sign3A_30 = arith.cmpi slt, %mul3A_26, %sign3A_29 : i32
      %sign3A_31 = arith.extui %sign3A_30 : i1 to i32
      %sign3A_32 = arith.subi %sign3A_28, %sign3A_31 : i32
      %sign3A_33 = arith.constant 0 : i32
      %sign3A_34 = arith.cmpi sgt, %jit3A, %sign3A_33 : i32
      %sign3A_35 = arith.extui %sign3A_34 : i1 to i32
      %sign3A_36 = arith.constant 0 : i32
      %sign3A_37 = arith.cmpi slt, %jit3A, %sign3A_36 : i32
      %sign3A_38 = arith.extui %sign3A_37 : i1 to i32
      %sign3A_39 = arith.subi %sign3A_35, %sign3A_38 : i32
      %ne3A = arith.cmpi ne, %sign3A_32, %sign3A_39 : i32
      %rem3A = arith.remsi %mul3A_26, %jit3A : i32
      %ne3A_40 = arith.constant 0 : i32
      %ne3A_41 = arith.cmpi ne, %rem3A, %ne3A_40 : i32
      %and3A = arith.andi %ne3A, %ne3A_41 : i1
      %sub3A = arith.constant 1 : i32
      %sub3A_42 = arith.subi %div3A, %sub3A : i32
      %select_n3A = arith.select %and3A, %sub3A_42, %div3A : i32
      %mul3A_43 = arith.constant 16 : i32
      %mul3A_44 = arith.muli %select_n3A, %mul3A_43 : i32
      %jit3A_45 = arith.constant 16 : i32
      %eq3A = arith.constant 0 : i32
      %eq3A_46 = arith.cmpi eq, %jit3A_45, %eq3A : i32
      %jit3A_47 = arith.constant 1 : i32
      %select_n3A_48 = arith.select %eq3A_46, %jit3A_47, %jit3A_45 : i32
      %rem3A_49 = arith.remsi %mul3A_26, %select_n3A_48 : i32
      %ne3A_50 = arith.constant 0 : i32
      %ne3A_51 = arith.cmpi ne, %rem3A_49, %ne3A_50 : i32
      %lt3A = arith.constant 0 : i32
      %lt3A_52 = arith.cmpi slt, %rem3A_49, %lt3A : i32
      %lt3A_53 = arith.constant 0 : i32
      %lt3A_54 = arith.cmpi slt, %select_n3A_48, %lt3A_53 : i32
      %ne3A_55 = arith.xori %lt3A_52, %lt3A_54 : i1
      %and3A_56 = arith.andi %ne3A_55, %ne3A_51 : i1
      %add3A_57 = arith.addi %rem3A_49, %select_n3A_48 : i32
      %select_n3A_58 = arith.select %and3A_56, %add3A_57, %rem3A_49 : i32
      %get3A = arith.index_cast %mul3A_44 : i32 to index
      %get3A_59 = tpu.vector_load %arg13[%get3A] {strides = array<i32>} : memref<64xf32, #tpu.memory_space<vmem>>, vector<16xf32>,
      %get3A_60 = vector.shape_cast %get3A_59 : vector<16xf32> to vector<16xf32>
      %get3A_61 = arith.index_cast %mul3A_44 : i32 to index
      %get3A_62 = tpu.vector_load %arg14[%get3A_61] {strides = array<i32>} : memref<64xf32, #tpu.memory_space<vmem>>, vector<16xf32>,
      %get3A_63 = vector.shape_cast %get3A_62 : vector<16xf32> to vector<16xf32>
      %get3A_64 = arith.index_cast %mul3A_44 : i32 to index
      %get3A_65 = tpu.vector_load %arg15[%get3A_64] {strides = array<i32>} : memref<64xf32, #tpu.memory_space<vmem>>, vector<16xf32>,
      %get3A_66 = vector.shape_cast %get3A_65 : vector<16xf32> to vector<16xf32>
      %add3A_67 = arith.constant 0 : i32
      %add3A_68 = arith.addi %select_n3A_58, %add3A_67 : i32
      %broadcast_in_dim3A_69 = vector.broadcast %add3A_68 : i32 to vector<16xi32>
      %lt3A_70 = arith.constant 0 : i32
      %lt3A_71 = vector.broadcast %lt3A_70 : i32 to vector<16xi32>
      %lt3A_72 = arith.cmpi slt, %broadcast_in_dim3A_69, %lt3A_71 : vector<16xi32>
      %add3A_73 = arith.constant 16 : i32
      %add3A_74 = vector.broadcast %add3A_73 : i32 to vector<16xi32>
      %add3A_75 = arith.addi %broadcast_in_dim3A_69, %add3A_74 : vector<16xi32>
      %select_n3A_76 = arith.select %lt3A_72, %add3A_75, %broadcast_in_dim3A_69 : vector<16xi1>, vector<16xi32>
      %broadcast_in_dim3A_77 = vector.shape_cast %select_n3A_76 : vector<16xi32> to vector<16x1xi32>
      %gather3A = vector.shape_cast %broadcast_in_dim3A_77 : vector<16x1xi32> to vector<16xi32>
      %gather3A_78 = tpu.dynamic_gather %get3A_60[%gather3A] in [0] : vector<16xf32>, vector<16xi32> -> vector<16xf32>
      %broadcast_in_dim3A_79 = vector.broadcast %add3A_68 : i32 to vector<16xi32>
      %lt3A_80 = arith.constant 0 : i32
      %lt3A_81 = vector.broadcast %lt3A_80 : i32 to vector<16xi32>
      %lt3A_82 = arith.cmpi slt, %broadcast_in_dim3A_79, %lt3A_81 : vector<16xi32>
      %add3A_83 = arith.constant 16 : i32
      %add3A_84 = vector.broadcast %add3A_83 : i32 to vector<16xi32>
      %add3A_85 = arith.addi %broadcast_in_dim3A_79, %add3A_84 : vector<16xi32>
      %select_n3A_86 = arith.select %lt3A_82, %add3A_85, %broadcast_in_dim3A_79 : vector<16xi1>, vector<16xi32>
      %broadcast_in_dim3A_87 = vector.shape_cast %select_n3A_86 : vector<16xi32> to vector<16x1xi32>
      %gather3A_88 = vector.shape_cast %broadcast_in_dim3A_87 : vector<16x1xi32> to vector<16xi32>
      %gather3A_89 = tpu.dynamic_gather %get3A_63[%gather3A_88] in [0] : vector<16xf32>, vector<16xi32> -> vector<16xf32>
      %broadcast_in_dim3A_90 = vector.broadcast %add3A_68 : i32 to vector<16xi32>
      %lt3A_91 = arith.constant 0 : i32
      %lt3A_92 = vector.broadcast %lt3A_91 : i32 to vector<16xi32>
      %lt3A_93 = arith.cmpi slt, %broadcast_in_dim3A_90, %lt3A_92 : vector<16xi32>
      %add3A_94 = arith.constant 16 : i32
      %add3A_95 = vector.broadcast %add3A_94 : i32 to vector<16xi32>
      %add3A_96 = arith.addi %broadcast_in_dim3A_90, %add3A_95 : vector<16xi32>
      %select_n3A_97 = arith.select %lt3A_93, %add3A_96, %broadcast_in_dim3A_90 : vector<16xi1>, vector<16xi32>
      %broadcast_in_dim3A_98 = vector.shape_cast %select_n3A_97 : vector<16xi32> to vector<16x1xi32>
      %gather3A_99 = vector.shape_cast %broadcast_in_dim3A_98 : vector<16x1xi32> to vector<16xi32>
      %gather3A_100 = tpu.dynamic_gather %get3A_66[%gather3A_99] in [0] : vector<16xf32>, vector<16xi32> -> vector<16xf32>
      %add3A_101 = arith.constant 1 : i32
      %add3A_102 = arith.addi %select_n3A_58, %add3A_101 : i32
      %broadcast_in_dim3A_103 = vector.broadcast %add3A_102 : i32 to vector<16xi32>
      %lt3A_104 = arith.constant 0 : i32
      %lt3A_105 = vector.broadcast %lt3A_104 : i32 to vector<16xi32>
      %lt3A_106 = arith.cmpi slt, %broadcast_in_dim3A_103, %lt3A_105 : vector<16xi32>
      %add3A_107 = arith.constant 16 : i32
      %add3A_108 = vector.broadcast %add3A_107 : i32 to vector<16xi32>
      %add3A_109 = arith.addi %broadcast_in_dim3A_103, %add3A_108 : vector<16xi32>
      %select_n3A_110 = arith.select %lt3A_106, %add3A_109, %broadcast_in_dim3A_103 : vector<16xi1>, vector<16xi32>
      %broadcast_in_dim3A_111 = vector.shape_cast %select_n3A_110 : vector<16xi32> to vector<16x1xi32>
      %gather3A_112 = vector.shape_cast %broadcast_in_dim3A_111 : vector<16x1xi32> to vector<16xi32>
      %gather3A_113 = tpu.dynamic_gather %get3A_60[%gather3A_112] in [0] : vector<16xf32>, vector<16xi32> -> vector<16xf32>
      %broadcast_in_dim3A_114 = vector.broadcast %add3A_102 : i32 to vector<16xi32>
      %lt3A_115 = arith.constant 0 : i32
      %lt3A_116 = vector.broadcast %lt3A_115 : i32 to vector<16xi32>
      %lt3A_117 = arith.cmpi slt, %broadcast_in_dim3A_114, %lt3A_116 : vector<16xi32>
      %add3A_118 = arith.constant 16 : i32
      %add3A_119 = vector.broadcast %add3A_118 : i32 to vector<16xi32>
      %add3A_120 = arith.addi %broadcast_in_dim3A_114, %add3A_119 : vector<16xi32>
      %select_n3A_121 = arith.select %lt3A_117, %add3A_120, %broadcast_in_dim3A_114 : vector<16xi1>, vector<16xi32>
      %broadcast_in_dim3A_122 = vector.shape_cast %select_n3A_121 : vector<16xi32> to vector<16x1xi32>
      %gather3A_123 = vector.shape_cast %broadcast_in_dim3A_122 : vector<16x1xi32> to vector<16xi32>
      %gather3A_124 = tpu.dynamic_gather %get3A_63[%gather3A_123] in [0] : vector<16xf32>, vector<16xi32> -> vector<16xf32>
      %broadcast_in_dim3A_125 = vector.broadcast %add3A_102 : i32 to vector<16xi32>
      %lt3A_126 = arith.constant 0 : i32
      %lt3A_127 = vector.broadcast %lt3A_126 : i32 to vector<16xi32>
      %lt3A_128 = arith.cmpi slt, %broadcast_in_dim3A_125, %lt3A_127 : vector<16xi32>
      %add3A_129 = arith.constant 16 : i32
      %add3A_130 = vector.broadcast %add3A_129 : i32 to vector<16xi32>
      %add3A_131 = arith.addi %broadcast_in_dim3A_125, %add3A_130 : vector<16xi32>
      %select_n3A_132 = arith.select %lt3A_128, %add3A_131, %broadcast_in_dim3A_125 : vector<16xi1>, vector<16xi32>
      %broadcast_in_dim3A_133 = vector.shape_cast %select_n3A_132 : vector<16xi32> to vector<16x1xi32>
      %gather3A_134 = vector.shape_cast %broadcast_in_dim3A_133 : vector<16x1xi32> to vector<16xi32>
      %gather3A_135 = tpu.dynamic_gather %get3A_66[%gather3A_134] in [0] : vector<16xf32>, vector<16xi32> -> vector<16xf32>
      %add3A_136 = arith.constant 2 : i32
      %add3A_137 = arith.addi %select_n3A_58, %add3A_136 : i32
      %broadcast_in_dim3A_138 = vector.broadcast %add3A_137 : i32 to vector<16xi32>
      %lt3A_139 = arith.constant 0 : i32
      %lt3A_140 = vector.broadcast %lt3A_139 : i32 to vector<16xi32>
      %lt3A_141 = arith.cmpi slt, %broadcast_in_dim3A_138, %lt3A_140 : vector<16xi32>
      %add3A_142 = arith.constant 16 : i32
      %add3A_143 = vector.broadcast %add3A_142 : i32 to vector<16xi32>
      %add3A_144 = arith.addi %broadcast_in_dim3A_138, %add3A_143 : vector<16xi32>
      %select_n3A_145 = arith.select %lt3A_141, %add3A_144, %broadcast_in_dim3A_138 : vector<16xi1>, vector<16xi32>
      %broadcast_in_dim3A_146 = vector.shape_cast %select_n3A_145 : vector<16xi32> to vector<16x1xi32>
      %gather3A_147 = vector.shape_cast %broadcast_in_dim3A_146 : vector<16x1xi32> to vector<16xi32>
      %gather3A_148 = tpu.dynamic_gather %get3A_60[%gather3A_147] in [0] : vector<16xf32>, vector<16xi32> -> vector<16xf32>
      %broadcast_in_dim3A_149 = vector.broadcast %add3A_137 : i32 to vector<16xi32>
      %lt3A_150 = arith.constant 0 : i32
      %lt3A_151 = vector.broadcast %lt3A_150 : i32 to vector<16xi32>
      %lt3A_152 = arith.cmpi slt, %broadcast_in_dim3A_149, %lt3A_151 : vector<16xi32>
      %add3A_153 = arith.constant 16 : i32
      %add3A_154 = vector.broadcast %add3A_153 : i32 to vector<16xi32>
      %add3A_155 = arith.addi %broadcast_in_dim3A_149, %add3A_154 : vector<16xi32>
      %select_n3A_156 = arith.select %lt3A_152, %add3A_155, %broadcast_in_dim3A_149 : vector<16xi1>, vector<16xi32>
      %broadcast_in_dim3A_157 = vector.shape_cast %select_n3A_156 : vector<16xi32> to vector<16x1xi32>
      %gather3A_158 = vector.shape_cast %broadcast_in_dim3A_157 : vector<16x1xi32> to vector<16xi32>
      %gather3A_159 = tpu.dynamic_gather %get3A_63[%gather3A_158] in [0] : vector<16xf32>, vector<16xi32> -> vector<16xf32>
      %broadcast_in_dim3A_160 = vector.broadcast %add3A_137 : i32 to vector<16xi32>
      %lt3A_161 = arith.constant 0 : i32
      %lt3A_162 = vector.broadcast %lt3A_161 : i32 to vector<16xi32>
      %lt3A_163 = arith.cmpi slt, %broadcast_in_dim3A_160, %lt3A_162 : vector<16xi32>
      %add3A_164 = arith.constant 16 : i32
      %add3A_165 = vector.broadcast %add3A_164 : i32 to vector<16xi32>
      %add3A_166 = arith.addi %broadcast_in_dim3A_160, %add3A_165 : vector<16xi32>
      %select_n3A_167 = arith.select %lt3A_163, %add3A_166, %broadcast_in_dim3A_160 : vector<16xi1>, vector<16xi32>
      %broadcast_in_dim3A_168 = vector.shape_cast %select_n3A_167 : vector<16xi32> to vector<16x1xi32>
      %gather3A_169 = vector.shape_cast %broadcast_in_dim3A_168 : vector<16x1xi32> to vector<16xi32>
      %gather3A_170 = tpu.dynamic_gather %get3A_66[%gather3A_169] in [0] : vector<16xf32>, vector<16xi32> -> vector<16xf32>
      %add3A_171 = arith.constant 3 : i32
      %add3A_172 = arith.addi %select_n3A_58, %add3A_171 : i32
      %broadcast_in_dim3A_173 = vector.broadcast %add3A_172 : i32 to vector<16xi32>
      %lt3A_174 = arith.constant 0 : i32
      %lt3A_175 = vector.broadcast %lt3A_174 : i32 to vector<16xi32>
      %lt3A_176 = arith.cmpi slt, %broadcast_in_dim3A_173, %lt3A_175 : vector<16xi32>
      %add3A_177 = arith.constant 16 : i32
      %add3A_178 = vector.broadcast %add3A_177 : i32 to vector<16xi32>
      %add3A_179 = arith.addi %broadcast_in_dim3A_173, %add3A_178 : vector<16xi32>
      %select_n3A_180 = arith.select %lt3A_176, %add3A_179, %broadcast_in_dim3A_173 : vector<16xi1>, vector<16xi32>
      %broadcast_in_dim3A_181 = vector.shape_cast %select_n3A_180 : vector<16xi32> to vector<16x1xi32>
      %gather3A_182 = vector.shape_cast %broadcast_in_dim3A_181 : vector<16x1xi32> to vector<16xi32>
      %gather3A_183 = tpu.dynamic_gather %get3A_60[%gather3A_182] in [0] : vector<16xf32>, vector<16xi32> -> vector<16xf32>
      %broadcast_in_dim3A_184 = vector.broadcast %add3A_172 : i32 to vector<16xi32>
      %lt3A_185 = arith.constant 0 : i32
      %lt3A_186 = vector.broadcast %lt3A_185 : i32 to vector<16xi32>
      %lt3A_187 = arith.cmpi slt, %broadcast_in_dim3A_184, %lt3A_186 : vector<16xi32>
      %add3A_188 = arith.constant 16 : i32
      %add3A_189 = vector.broadcast %add3A_188 : i32 to vector<16xi32>
      %add3A_190 = arith.addi %broadcast_in_dim3A_184, %add3A_189 : vector<16xi32>
      %select_n3A_191 = arith.select %lt3A_187, %add3A_190, %broadcast_in_dim3A_184 : vector<16xi1>, vector<16xi32>
      %broadcast_in_dim3A_192 = vector.shape_cast %select_n3A_191 : vector<16xi32> to vector<16x1xi32>
      %gather3A_193 = vector.shape_cast %broadcast_in_dim3A_192 : vector<16x1xi32> to vector<16xi32>
      %gather3A_194 = tpu.dynamic_gather %get3A_63[%gather3A_193] in [0] : vector<16xf32>, vector<16xi32> -> vector<16xf32>
      %broadcast_in_dim3A_195 = vector.broadcast %add3A_172 : i32 to vector<16xi32>
      %lt3A_196 = arith.constant 0 : i32
      %lt3A_197 = vector.broadcast %lt3A_196 : i32 to vector<16xi32>
      %lt3A_198 = arith.cmpi slt, %broadcast_in_dim3A_195, %lt3A_197 : vector<16xi32>
      %add3A_199 = arith.constant 16 : i32
      %add3A_200 = vector.broadcast %add3A_199 : i32 to vector<16xi32>
      %add3A_201 = arith.addi %broadcast_in_dim3A_195, %add3A_200 : vector<16xi32>
      %select_n3A_202 = arith.select %lt3A_198, %add3A_201, %broadcast_in_dim3A_195 : vector<16xi1>, vector<16xi32>
      %broadcast_in_dim3A_203 = vector.shape_cast %select_n3A_202 : vector<16xi32> to vector<16x1xi32>
      %gather3A_204 = vector.shape_cast %broadcast_in_dim3A_203 : vector<16x1xi32> to vector<16xi32>
      %gather3A_205 = tpu.dynamic_gather %get3A_66[%gather3A_204] in [0] : vector<16xf32>, vector<16xi32> -> vector<16xf32>
      %broadcast_in_dim3A_206 = arith.constant 3.000000e+38 : f32
      %broadcast_in_dim3A_207 = vector.broadcast %broadcast_in_dim3A_206 : f32 to vector<16xf32>
      %broadcast_in_dim3A_208 = arith.constant 3.000000e+38 : f32
      %broadcast_in_dim3A_209 = vector.broadcast %broadcast_in_dim3A_208 : f32 to vector<16xf32>
      %broadcast_in_dim3A_210 = arith.constant 3.000000e+38 : f32
      %broadcast_in_dim3A_211 = vector.broadcast %broadcast_in_dim3A_210 : f32 to vector<16xf32>
      %broadcast_in_dim3A_212 = arith.constant 3.000000e+38 : f32
      %broadcast_in_dim3A_213 = vector.broadcast %broadcast_in_dim3A_212 : f32 to vector<16xf32>
      %parallel_loop3A = arith.constant 0 : i32
      %parallel_loop3A_214 = arith.constant 128 : i32
      %parallel_loop3A_215 = arith.constant 1 : i32
      %parallel_loop3A_216:4 = scf.for %parallel_loop3A_446 = %parallel_loop3A to %parallel_loop3A_214 step %parallel_loop3A_215 iter_args(%parallel_loop3A_447 = %broadcast_in_dim3A_207, %parallel_loop3A_448 = %broadcast_in_dim3A_209, %parallel_loop3A_449 = %broadcast_in_dim3A_211, %parallel_loop3A_450 = %broadcast_in_dim3A_213) -> (vector<16xf32>, vector<16xf32>, vector<16xf32>, vector<16xf32>)  : i32 {
        %parallel_loop3A_451 = arith.constant 16 : i32
        %parallel_loop3A_452 = arith.muli %parallel_loop3A_446, %parallel_loop3A_451 : i32
        %parallel_loop3A_453 = arith.index_cast %parallel_loop3A_452 : i32 to index
        %parallel_loop3A_454 = tpu.vector_load %arg10[%parallel_loop3A_453] {strides = array<i32>} : memref<2048xf32, #tpu.memory_space<vmem>>, vector<16xf32>,
        %parallel_loop3A_455 = vector.shape_cast %parallel_loop3A_454 : vector<16xf32> to vector<16xf32>
        %parallel_loop3A_456 = arith.index_cast %parallel_loop3A_452 : i32 to index
        %parallel_loop3A_457 = tpu.vector_load %arg11[%parallel_loop3A_456] {strides = array<i32>} : memref<2048xf32, #tpu.memory_space<vmem>>, vector<16xf32>,
        %parallel_loop3A_458 = vector.shape_cast %parallel_loop3A_457 : vector<16xf32> to vector<16xf32>
        %parallel_loop3A_459 = arith.index_cast %parallel_loop3A_452 : i32 to index
        %parallel_loop3A_460 = tpu.vector_load %arg12[%parallel_loop3A_459] {strides = array<i32>} : memref<2048xf32, #tpu.memory_space<vmem>>, vector<16xf32>,
        %parallel_loop3A_461 = vector.shape_cast %parallel_loop3A_460 : vector<16xf32> to vector<16xf32>
        %parallel_loop3A_462 = arith.subf %gather3A_78, %parallel_loop3A_455 : vector<16xf32>
        %parallel_loop3A_463 = arith.subf %gather3A_89, %parallel_loop3A_458 : vector<16xf32>
        %parallel_loop3A_464 = arith.subf %gather3A_100, %parallel_loop3A_461 : vector<16xf32>
        %parallel_loop3A_465 = arith.mulf %parallel_loop3A_462, %parallel_loop3A_462 : vector<16xf32>
        %parallel_loop3A_466 = arith.mulf %parallel_loop3A_463, %parallel_loop3A_463 : vector<16xf32>
        %parallel_loop3A_467 = arith.addf %parallel_loop3A_465, %parallel_loop3A_466 : vector<16xf32>
        %parallel_loop3A_468 = arith.mulf %parallel_loop3A_464, %parallel_loop3A_464 : vector<16xf32>
        %parallel_loop3A_469 = arith.addf %parallel_loop3A_467, %parallel_loop3A_468 : vector<16xf32>
        %parallel_loop3A_470 = arith.minimumf %parallel_loop3A_447, %parallel_loop3A_469 : vector<16xf32>
        %parallel_loop3A_471 = arith.subf %gather3A_113, %parallel_loop3A_455 : vector<16xf32>
        %parallel_loop3A_472 = arith.subf %gather3A_124, %parallel_loop3A_458 : vector<16xf32>
        %parallel_loop3A_473 = arith.subf %gather3A_135, %parallel_loop3A_461 : vector<16xf32>
        %parallel_loop3A_474 = arith.mulf %parallel_loop3A_471, %parallel_loop3A_471 : vector<16xf32>
        %parallel_loop3A_475 = arith.mulf %parallel_loop3A_472, %parallel_loop3A_472 : vector<16xf32>
        %parallel_loop3A_476 = arith.addf %parallel_loop3A_474, %parallel_loop3A_475 : vector<16xf32>
        %parallel_loop3A_477 = arith.mulf %parallel_loop3A_473, %parallel_loop3A_473 : vector<16xf32>
        %parallel_loop3A_478 = arith.addf %parallel_loop3A_476, %parallel_loop3A_477 : vector<16xf32>
        %parallel_loop3A_479 = arith.minimumf %parallel_loop3A_448, %parallel_loop3A_478 : vector<16xf32>
        %parallel_loop3A_480 = arith.subf %gather3A_148, %parallel_loop3A_455 : vector<16xf32>
        %parallel_loop3A_481 = arith.subf %gather3A_159, %parallel_loop3A_458 : vector<16xf32>
        %parallel_loop3A_482 = arith.subf %gather3A_170, %parallel_loop3A_461 : vector<16xf32>
        %parallel_loop3A_483 = arith.mulf %parallel_loop3A_480, %parallel_loop3A_480 : vector<16xf32>
        %parallel_loop3A_484 = arith.mulf %parallel_loop3A_481, %parallel_loop3A_481 : vector<16xf32>
        %parallel_loop3A_485 = arith.addf %parallel_loop3A_483, %parallel_loop3A_484 : vector<16xf32>
        %parallel_loop3A_486 = arith.mulf %parallel_loop3A_482, %parallel_loop3A_482 : vector<16xf32>
        %parallel_loop3A_487 = arith.addf %parallel_loop3A_485, %parallel_loop3A_486 : vector<16xf32>
        %parallel_loop3A_488 = arith.minimumf %parallel_loop3A_449, %parallel_loop3A_487 : vector<16xf32>
        %parallel_loop3A_489 = arith.subf %gather3A_183, %parallel_loop3A_455 : vector<16xf32>
        %parallel_loop3A_490 = arith.subf %gather3A_194, %parallel_loop3A_458 : vector<16xf32>
        %parallel_loop3A_491 = arith.subf %gather3A_205, %parallel_loop3A_461 : vector<16xf32>
        %parallel_loop3A_492 = arith.mulf %parallel_loop3A_489, %parallel_loop3A_489 : vector<16xf32>
        %parallel_loop3A_493 = arith.mulf %parallel_loop3A_490, %parallel_loop3A_490 : vector<16xf32>
        %parallel_loop3A_494 = arith.addf %parallel_loop3A_492, %parallel_loop3A_493 : vector<16xf32>
        %parallel_loop3A_495 = arith.mulf %parallel_loop3A_491, %parallel_loop3A_491 : vector<16xf32>
        %parallel_loop3A_496 = arith.addf %parallel_loop3A_494, %parallel_loop3A_495 : vector<16xf32>
        %parallel_loop3A_497 = arith.minimumf %parallel_loop3A_450, %parallel_loop3A_496 : vector<16xf32>
        %parallel_loop3A_498 = arith.minimumf %parallel_loop3A_469, %parallel_loop3A_478 : vector<16xf32>
        %parallel_loop3A_499 = arith.minimumf %parallel_loop3A_487, %parallel_loop3A_496 : vector<16xf32>
        %parallel_loop3A_500 = arith.minimumf %parallel_loop3A_498, %parallel_loop3A_499 : vector<16xf32>
        %parallel_loop3A_501 = arith.index_cast %parallel_loop3A_452 : i32 to index
        %parallel_loop3A_502 = tpu.vector_load %arg16[%parallel_loop3A_501] {strides = array<i32>} : memref<2048xf32, #tpu.memory_space<vmem>>, vector<16xf32>,
        %parallel_loop3A_503 = vector.shape_cast %parallel_loop3A_502 : vector<16xf32> to vector<16xf32>
        %parallel_loop3A_504 = arith.minimumf %parallel_loop3A_503, %parallel_loop3A_500 : vector<16xf32>
        %parallel_loop3A_505 = arith.index_cast %parallel_loop3A_452 : i32 to index
        %parallel_loop3A_506 = tpu.vector_load %arg16[%parallel_loop3A_505] {strides = array<i32>} : memref<2048xf32, #tpu.memory_space<vmem>>, vector<16xf32>,
        %parallel_loop3A_507 = vector.shape_cast %parallel_loop3A_506 : vector<16xf32> to vector<16xf32>
        %parallel_loop3A_508 = vector.shape_cast %parallel_loop3A_504 : vector<16xf32> to vector<16xf32>
        tpu.vector_store %arg16[%parallel_loop3A_505], %parallel_loop3A_508 {strides = array<i32>} : memref<2048xf32, #tpu.memory_space<vmem>>, vector<16xf32>,
        scf.yield %parallel_loop3A_470, %parallel_loop3A_479, %parallel_loop3A_488, %parallel_loop3A_497 : vector<16xf32>, vector<16xf32>, vector<16xf32>, vector<16xf32>
      } {sc.loop_unroll_factor = 4 : i64, sc.parallel_access}
      %iota3A = tpu.iota {dimensions = array<i32: 0>} : vector<16xi32>
      %xor3A = arith.constant 8 : i32
      %xor3A_217 = vector.broadcast %xor3A : i32 to vector<16xi32>
      %xor3A_218 = arith.xori %iota3A, %xor3A_217 : vector<16xi32>
      %lt3A_219 = arith.constant 0 : i32
      %lt3A_220 = vector.broadcast %lt3A_219 : i32 to vector<16xi32>
      %lt3A_221 = arith.cmpi slt, %xor3A_218, %lt3A_220 : vector<16xi32>
      %add3A_222 = arith.constant 16 : i32
      %add3A_223 = vector.broadcast %add3A_222 : i32 to vector<16xi32>
      %add3A_224 = arith.addi %xor3A_218, %add3A_223 : vector<16xi32>
      %select_n3A_225 = arith.select %lt3A_221, %add3A_224, %xor3A_218 : vector<16xi1>, vector<16xi32>
      %broadcast_in_dim3A_226 = vector.shape_cast %select_n3A_225 : vector<16xi32> to vector<16x1xi32>
      %gather3A_227 = vector.shape_cast %broadcast_in_dim3A_226 : vector<16x1xi32> to vector<16xi32>
      %gather3A_228 = tpu.dynamic_gather %parallel_loop3A_216#0[%gather3A_227] in [0] : vector<16xf32>, vector<16xi32> -> vector<16xf32>
      %min3A = arith.minimumf %parallel_loop3A_216#0, %gather3A_228 : vector<16xf32>
      %xor3A_229 = arith.constant 4 : i32
      %xor3A_230 = vector.broadcast %xor3A_229 : i32 to vector<16xi32>
      %xor3A_231 = arith.xori %iota3A, %xor3A_230 : vector<16xi32>
      %lt3A_232 = arith.constant 0 : i32
      %lt3A_233 = vector.broadcast %lt3A_232 : i32 to vector<16xi32>
      %lt3A_234 = arith.cmpi slt, %xor3A_231, %lt3A_233 : vector<16xi32>
      %add3A_235 = arith.constant 16 : i32
      %add3A_236 = vector.broadcast %add3A_235 : i32 to vector<16xi32>
      %add3A_237 = arith.addi %xor3A_231, %add3A_236 : vector<16xi32>
      %select_n3A_238 = arith.select %lt3A_234, %add3A_237, %xor3A_231 : vector<16xi1>, vector<16xi32>
      %broadcast_in_dim3A_239 = vector.shape_cast %select_n3A_238 : vector<16xi32> to vector<16x1xi32>
      %gather3A_240 = vector.shape_cast %broadcast_in_dim3A_239 : vector<16x1xi32> to vector<16xi32>
      %gather3A_241 = tpu.dynamic_gather %min3A[%gather3A_240] in [0] : vector<16xf32>, vector<16xi32> -> vector<16xf32>
      %min3A_242 = arith.minimumf %min3A, %gather3A_241 : vector<16xf32>
      %xor3A_243 = arith.constant 2 : i32
      %xor3A_244 = vector.broadcast %xor3A_243 : i32 to vector<16xi32>
      %xor3A_245 = arith.xori %iota3A, %xor3A_244 : vector<16xi32>
      %lt3A_246 = arith.constant 0 : i32
      %lt3A_247 = vector.broadcast %lt3A_246 : i32 to vector<16xi32>
      %lt3A_248 = arith.cmpi slt, %xor3A_245, %lt3A_247 : vector<16xi32>
      %add3A_249 = arith.constant 16 : i32
      %add3A_250 = vector.broadcast %add3A_249 : i32 to vector<16xi32>
      %add3A_251 = arith.addi %xor3A_245, %add3A_250 : vector<16xi32>
      %select_n3A_252 = arith.select %lt3A_248, %add3A_251, %xor3A_245 : vector<16xi1>, vector<16xi32>
      %broadcast_in_dim3A_253 = vector.shape_cast %select_n3A_252 : vector<16xi32> to vector<16x1xi32>
      %gather3A_254 = vector.shape_cast %broadcast_in_dim3A_253 : vector<16x1xi32> to vector<16xi32>
      %gather3A_255 = tpu.dynamic_gather %min3A_242[%gather3A_254] in [0] : vector<16xf32>, vector<16xi32> -> vector<16xf32>
      %min3A_256 = arith.minimumf %min3A_242, %gather3A_255 : vector<16xf32>
      %xor3A_257 = arith.constant 1 : i32
      %xor3A_258 = vector.broadcast %xor3A_257 : i32 to vector<16xi32>
      %xor3A_259 = arith.xori %iota3A, %xor3A_258 : vector<16xi32>
      %lt3A_260 = arith.constant 0 : i32
      %lt3A_261 = vector.broadcast %lt3A_260 : i32 to vector<16xi32>
      %lt3A_262 = arith.cmpi slt, %xor3A_259, %lt3A_261 : vector<16xi32>
      %add3A_263 = arith.constant 16 : i32
      %add3A_264 = vector.broadcast %add3A_263 : i32 to vector<16xi32>
      %add3A_265 = arith.addi %xor3A_259, %add3A_264 : vector<16xi32>
      %select_n3A_266 = arith.select %lt3A_262, %add3A_265, %xor3A_259 : vector<16xi1>, vector<16xi32>
      %broadcast_in_dim3A_267 = vector.shape_cast %select_n3A_266 : vector<16xi32> to vector<16x1xi32>
      %gather3A_268 = vector.shape_cast %broadcast_in_dim3A_267 : vector<16x1xi32> to vector<16xi32>
      %gather3A_269 = tpu.dynamic_gather %min3A_256[%gather3A_268] in [0] : vector<16xf32>, vector<16xi32> -> vector<16xf32>
      %min3A_270 = arith.minimumf %min3A_256, %gather3A_269 : vector<16xf32>
      %add3A_271 = arith.addf %scan3A_24, %min3A_270 : vector<16xf32>
      %iota3A_272 = tpu.iota {dimensions = array<i32: 0>} : vector<16xi32>
      %xor3A_273 = arith.constant 8 : i32
      %xor3A_274 = vector.broadcast %xor3A_273 : i32 to vector<16xi32>
      %xor3A_275 = arith.xori %iota3A_272, %xor3A_274 : vector<16xi32>
      %lt3A_276 = arith.constant 0 : i32
      %lt3A_277 = vector.broadcast %lt3A_276 : i32 to vector<16xi32>
      %lt3A_278 = arith.cmpi slt, %xor3A_275, %lt3A_277 : vector<16xi32>
      %add3A_279 = arith.constant 16 : i32
      %add3A_280 = vector.broadcast %add3A_279 : i32 to vector<16xi32>
      %add3A_281 = arith.addi %xor3A_275, %add3A_280 : vector<16xi32>
      %select_n3A_282 = arith.select %lt3A_278, %add3A_281, %xor3A_275 : vector<16xi1>, vector<16xi32>
      %broadcast_in_dim3A_283 = vector.shape_cast %select_n3A_282 : vector<16xi32> to vector<16x1xi32>
      %gather3A_284 = vector.shape_cast %broadcast_in_dim3A_283 : vector<16x1xi32> to vector<16xi32>
      %gather3A_285 = tpu.dynamic_gather %parallel_loop3A_216#1[%gather3A_284] in [0] : vector<16xf32>, vector<16xi32> -> vector<16xf32>
      %min3A_286 = arith.minimumf %parallel_loop3A_216#1, %gather3A_285 : vector<16xf32>
      %xor3A_287 = arith.constant 4 : i32
      %xor3A_288 = vector.broadcast %xor3A_287 : i32 to vector<16xi32>
      %xor3A_289 = arith.xori %iota3A_272, %xor3A_288 : vector<16xi32>
      %lt3A_290 = arith.constant 0 : i32
      %lt3A_291 = vector.broadcast %lt3A_290 : i32 to vector<16xi32>
      %lt3A_292 = arith.cmpi slt, %xor3A_289, %lt3A_291 : vector<16xi32>
      %add3A_293 = arith.constant 16 : i32
      %add3A_294 = vector.broadcast %add3A_293 : i32 to vector<16xi32>
      %add3A_295 = arith.addi %xor3A_289, %add3A_294 : vector<16xi32>
      %select_n3A_296 = arith.select %lt3A_292, %add3A_295, %xor3A_289 : vector<16xi1>, vector<16xi32>
      %broadcast_in_dim3A_297 = vector.shape_cast %select_n3A_296 : vector<16xi32> to vector<16x1xi32>
      %gather3A_298 = vector.shape_cast %broadcast_in_dim3A_297 : vector<16x1xi32> to vector<16xi32>
      %gather3A_299 = tpu.dynamic_gather %min3A_286[%gather3A_298] in [0] : vector<16xf32>, vector<16xi32> -> vector<16xf32>
      %min3A_300 = arith.minimumf %min3A_286, %gather3A_299 : vector<16xf32>
      %xor3A_301 = arith.constant 2 : i32
      %xor3A_302 = vector.broadcast %xor3A_301 : i32 to vector<16xi32>
      %xor3A_303 = arith.xori %iota3A_272, %xor3A_302 : vector<16xi32>
      %lt3A_304 = arith.constant 0 : i32
      %lt3A_305 = vector.broadcast %lt3A_304 : i32 to vector<16xi32>
      %lt3A_306 = arith.cmpi slt, %xor3A_303, %lt3A_305 : vector<16xi32>
      %add3A_307 = arith.constant 16 : i32
      %add3A_308 = vector.broadcast %add3A_307 : i32 to vector<16xi32>
      %add3A_309 = arith.addi %xor3A_303, %add3A_308 : vector<16xi32>
      %select_n3A_310 = arith.select %lt3A_306, %add3A_309, %xor3A_303 : vector<16xi1>, vector<16xi32>
      %broadcast_in_dim3A_311 = vector.shape_cast %select_n3A_310 : vector<16xi32> to vector<16x1xi32>
      %gather3A_312 = vector.shape_cast %broadcast_in_dim3A_311 : vector<16x1xi32> to vector<16xi32>
      %gather3A_313 = tpu.dynamic_gather %min3A_300[%gather3A_312] in [0] : vector<16xf32>, vector<16xi32> -> vector<16xf32>
      %min3A_314 = arith.minimumf %min3A_300, %gather3A_313 : vector<16xf32>
      %xor3A_315 = arith.constant 1 : i32
      %xor3A_316 = vector.broadcast %xor3A_315 : i32 to vector<16xi32>
      %xor3A_317 = arith.xori %iota3A_272, %xor3A_316 : vector<16xi32>
      %lt3A_318 = arith.constant 0 : i32
      %lt3A_319 = vector.broadcast %lt3A_318 : i32 to vector<16xi32>
      %lt3A_320 = arith.cmpi slt, %xor3A_317, %lt3A_319 : vector<16xi32>
      %add3A_321 = arith.constant 16 : i32
      %add3A_322 = vector.broadcast %add3A_321 : i32 to vector<16xi32>
      %add3A_323 = arith.addi %xor3A_317, %add3A_322 : vector<16xi32>
      %select_n3A_324 = arith.select %lt3A_320, %add3A_323, %xor3A_317 : vector<16xi1>, vector<16xi32>
      %broadcast_in_dim3A_325 = vector.shape_cast %select_n3A_324 : vector<16xi32> to vector<16x1xi32>
      %gather3A_326 = vector.shape_cast %broadcast_in_dim3A_325 : vector<16x1xi32> to vector<16xi32>
      %gather3A_327 = tpu.dynamic_gather %min3A_314[%gather3A_326] in [0] : vector<16xf32>, vector<16xi32> -> vector<16xf32>
      %min3A_328 = arith.minimumf %min3A_314, %gather3A_327 : vector<16xf32>
      %add3A_329 = arith.addf %add3A_271, %min3A_328 : vector<16xf32>
      %iota3A_330 = tpu.iota {dimensions = array<i32: 0>} : vector<16xi32>
      %xor3A_331 = arith.constant 8 : i32
      %xor3A_332 = vector.broadcast %xor3A_331 : i32 to vector<16xi32>
      %xor3A_333 = arith.xori %iota3A_330, %xor3A_332 : vector<16xi32>
      %lt3A_334 = arith.constant 0 : i32
      %lt3A_335 = vector.broadcast %lt3A_334 : i32 to vector<16xi32>
      %lt3A_336 = arith.cmpi slt, %xor3A_333, %lt3A_335 : vector<16xi32>
      %add3A_337 = arith.constant 16 : i32
      %add3A_338 = vector.broadcast %add3A_337 : i32 to vector<16xi32>
      %add3A_339 = arith.addi %xor3A_333, %add3A_338 : vector<16xi32>
      %select_n3A_340 = arith.select %lt3A_336, %add3A_339, %xor3A_333 : vector<16xi1>, vector<16xi32>
      %broadcast_in_dim3A_341 = vector.shape_cast %select_n3A_340 : vector<16xi32> to vector<16x1xi32>
      %gather3A_342 = vector.shape_cast %broadcast_in_dim3A_341 : vector<16x1xi32> to vector<16xi32>
      %gather3A_343 = tpu.dynamic_gather %parallel_loop3A_216#2[%gather3A_342] in [0] : vector<16xf32>, vector<16xi32> -> vector<16xf32>
      %min3A_344 = arith.minimumf %parallel_loop3A_216#2, %gather3A_343 : vector<16xf32>
      %xor3A_345 = arith.constant 4 : i32
      %xor3A_346 = vector.broadcast %xor3A_345 : i32 to vector<16xi32>
      %xor3A_347 = arith.xori %iota3A_330, %xor3A_346 : vector<16xi32>
      %lt3A_348 = arith.constant 0 : i32
      %lt3A_349 = vector.broadcast %lt3A_348 : i32 to vector<16xi32>
      %lt3A_350 = arith.cmpi slt, %xor3A_347, %lt3A_349 : vector<16xi32>
      %add3A_351 = arith.constant 16 : i32
      %add3A_352 = vector.broadcast %add3A_351 : i32 to vector<16xi32>
      %add3A_353 = arith.addi %xor3A_347, %add3A_352 : vector<16xi32>
      %select_n3A_354 = arith.select %lt3A_350, %add3A_353, %xor3A_347 : vector<16xi1>, vector<16xi32>
      %broadcast_in_dim3A_355 = vector.shape_cast %select_n3A_354 : vector<16xi32> to vector<16x1xi32>
      %gather3A_356 = vector.shape_cast %broadcast_in_dim3A_355 : vector<16x1xi32> to vector<16xi32>
      %gather3A_357 = tpu.dynamic_gather %min3A_344[%gather3A_356] in [0] : vector<16xf32>, vector<16xi32> -> vector<16xf32>
      %min3A_358 = arith.minimumf %min3A_344, %gather3A_357 : vector<16xf32>
      %xor3A_359 = arith.constant 2 : i32
      %xor3A_360 = vector.broadcast %xor3A_359 : i32 to vector<16xi32>
      %xor3A_361 = arith.xori %iota3A_330, %xor3A_360 : vector<16xi32>
      %lt3A_362 = arith.constant 0 : i32
      %lt3A_363 = vector.broadcast %lt3A_362 : i32 to vector<16xi32>
      %lt3A_364 = arith.cmpi slt, %xor3A_361, %lt3A_363 : vector<16xi32>
      %add3A_365 = arith.constant 16 : i32
      %add3A_366 = vector.broadcast %add3A_365 : i32 to vector<16xi32>
      %add3A_367 = arith.addi %xor3A_361, %add3A_366 : vector<16xi32>
      %select_n3A_368 = arith.select %lt3A_364, %add3A_367, %xor3A_361 : vector<16xi1>, vector<16xi32>
      %broadcast_in_dim3A_369 = vector.shape_cast %select_n3A_368 : vector<16xi32> to vector<16x1xi32>
      %gather3A_370 = vector.shape_cast %broadcast_in_dim3A_369 : vector<16x1xi32> to vector<16xi32>
      %gather3A_371 = tpu.dynamic_gather %min3A_358[%gather3A_370] in [0] : vector<16xf32>, vector<16xi32> -> vector<16xf32>
      %min3A_372 = arith.minimumf %min3A_358, %gather3A_371 : vector<16xf32>
      %xor3A_373 = arith.constant 1 : i32
      %xor3A_374 = vector.broadcast %xor3A_373 : i32 to vector<16xi32>
      %xor3A_375 = arith.xori %iota3A_330, %xor3A_374 : vector<16xi32>
      %lt3A_376 = arith.constant 0 : i32
      %lt3A_377 = vector.broadcast %lt3A_376 : i32 to vector<16xi32>
      %lt3A_378 = arith.cmpi slt, %xor3A_375, %lt3A_377 : vector<16xi32>
      %add3A_379 = arith.constant 16 : i32
      %add3A_380 = vector.broadcast %add3A_379 : i32 to vector<16xi32>
      %add3A_381 = arith.addi %xor3A_375, %add3A_380 : vector<16xi32>
      %select_n3A_382 = arith.select %lt3A_378, %add3A_381, %xor3A_375 : vector<16xi1>, vector<16xi32>
      %broadcast_in_dim3A_383 = vector.shape_cast %select_n3A_382 : vector<16xi32> to vector<16x1xi32>
      %gather3A_384 = vector.shape_cast %broadcast_in_dim3A_383 : vector<16x1xi32> to vector<16xi32>
      %gather3A_385 = tpu.dynamic_gather %min3A_372[%gather3A_384] in [0] : vector<16xf32>, vector<16xi32> -> vector<16xf32>
      %min3A_386 = arith.minimumf %min3A_372, %gather3A_385 : vector<16xf32>
      %add3A_387 = arith.addf %add3A_329, %min3A_386 : vector<16xf32>
      %iota3A_388 = tpu.iota {dimensions = array<i32: 0>} : vector<16xi32>
      %xor3A_389 = arith.constant 8 : i32
      %xor3A_390 = vector.broadcast %xor3A_389 : i32 to vector<16xi32>
      %xor3A_391 = arith.xori %iota3A_388, %xor3A_390 : vector<16xi32>
      %lt3A_392 = arith.constant 0 : i32
      %lt3A_393 = vector.broadcast %lt3A_392 : i32 to vector<16xi32>
      %lt3A_394 = arith.cmpi slt, %xor3A_391, %lt3A_393 : vector<16xi32>
      %add3A_395 = arith.constant 16 : i32
      %add3A_396 = vector.broadcast %add3A_395 : i32 to vector<16xi32>
      %add3A_397 = arith.addi %xor3A_391, %add3A_396 : vector<16xi32>
      %select_n3A_398 = arith.select %lt3A_394, %add3A_397, %xor3A_391 : vector<16xi1>, vector<16xi32>
      %broadcast_in_dim3A_399 = vector.shape_cast %select_n3A_398 : vector<16xi32> to vector<16x1xi32>
      %gather3A_400 = vector.shape_cast %broadcast_in_dim3A_399 : vector<16x1xi32> to vector<16xi32>
      %gather3A_401 = tpu.dynamic_gather %parallel_loop3A_216#3[%gather3A_400] in [0] : vector<16xf32>, vector<16xi32> -> vector<16xf32>
      %min3A_402 = arith.minimumf %parallel_loop3A_216#3, %gather3A_401 : vector<16xf32>
      %xor3A_403 = arith.constant 4 : i32
      %xor3A_404 = vector.broadcast %xor3A_403 : i32 to vector<16xi32>
      %xor3A_405 = arith.xori %iota3A_388, %xor3A_404 : vector<16xi32>
      %lt3A_406 = arith.constant 0 : i32
      %lt3A_407 = vector.broadcast %lt3A_406 : i32 to vector<16xi32>
      %lt3A_408 = arith.cmpi slt, %xor3A_405, %lt3A_407 : vector<16xi32>
      %add3A_409 = arith.constant 16 : i32
      %add3A_410 = vector.broadcast %add3A_409 : i32 to vector<16xi32>
      %add3A_411 = arith.addi %xor3A_405, %add3A_410 : vector<16xi32>
      %select_n3A_412 = arith.select %lt3A_408, %add3A_411, %xor3A_405 : vector<16xi1>, vector<16xi32>
      %broadcast_in_dim3A_413 = vector.shape_cast %select_n3A_412 : vector<16xi32> to vector<16x1xi32>
      %gather3A_414 = vector.shape_cast %broadcast_in_dim3A_413 : vector<16x1xi32> to vector<16xi32>
      %gather3A_415 = tpu.dynamic_gather %min3A_402[%gather3A_414] in [0] : vector<16xf32>, vector<16xi32> -> vector<16xf32>
      %min3A_416 = arith.minimumf %min3A_402, %gather3A_415 : vector<16xf32>
      %xor3A_417 = arith.constant 2 : i32
      %xor3A_418 = vector.broadcast %xor3A_417 : i32 to vector<16xi32>
      %xor3A_419 = arith.xori %iota3A_388, %xor3A_418 : vector<16xi32>
      %lt3A_420 = arith.constant 0 : i32
      %lt3A_421 = vector.broadcast %lt3A_420 : i32 to vector<16xi32>
      %lt3A_422 = arith.cmpi slt, %xor3A_419, %lt3A_421 : vector<16xi32>
      %add3A_423 = arith.constant 16 : i32
      %add3A_424 = vector.broadcast %add3A_423 : i32 to vector<16xi32>
      %add3A_425 = arith.addi %xor3A_419, %add3A_424 : vector<16xi32>
      %select_n3A_426 = arith.select %lt3A_422, %add3A_425, %xor3A_419 : vector<16xi1>, vector<16xi32>
      %broadcast_in_dim3A_427 = vector.shape_cast %select_n3A_426 : vector<16xi32> to vector<16x1xi32>
      %gather3A_428 = vector.shape_cast %broadcast_in_dim3A_427 : vector<16x1xi32> to vector<16xi32>
      %gather3A_429 = tpu.dynamic_gather %min3A_416[%gather3A_428] in [0] : vector<16xf32>, vector<16xi32> -> vector<16xf32>
      %min3A_430 = arith.minimumf %min3A_416, %gather3A_429 : vector<16xf32>
      %xor3A_431 = arith.constant 1 : i32
      %xor3A_432 = vector.broadcast %xor3A_431 : i32 to vector<16xi32>
      %xor3A_433 = arith.xori %iota3A_388, %xor3A_432 : vector<16xi32>
      %lt3A_434 = arith.constant 0 : i32
      %lt3A_435 = vector.broadcast %lt3A_434 : i32 to vector<16xi32>
      %lt3A_436 = arith.cmpi slt, %xor3A_433, %lt3A_435 : vector<16xi32>
      %add3A_437 = arith.constant 16 : i32
      %add3A_438 = vector.broadcast %add3A_437 : i32 to vector<16xi32>
      %add3A_439 = arith.addi %xor3A_433, %add3A_438 : vector<16xi32>
      %select_n3A_440 = arith.select %lt3A_436, %add3A_439, %xor3A_433 : vector<16xi1>, vector<16xi32>
      %broadcast_in_dim3A_441 = vector.shape_cast %select_n3A_440 : vector<16xi32> to vector<16x1xi32>
      %gather3A_442 = vector.shape_cast %broadcast_in_dim3A_441 : vector<16x1xi32> to vector<16xi32>
      %gather3A_443 = tpu.dynamic_gather %min3A_430[%gather3A_442] in [0] : vector<16xf32>, vector<16xi32> -> vector<16xf32>
      %min3A_444 = arith.minimumf %min3A_430, %gather3A_443 : vector<16xf32>
      %add3A_445 = arith.addf %add3A_387, %min3A_444 : vector<16xf32>
      scf.yield %add3A_445 : vector<16xf32>
    }
    %scan3A_19 = arith.constant 16 : i32
    %swap3A = arith.constant 0 : index
    %swap3A_20 = tpu.vector_load %arg17[%swap3A] {strides = array<i32>} : memref<16xf32, #tpu.memory_space<vmem>>, vector<16xf32>,
    %swap3A_21 = vector.shape_cast %swap3A_20 : vector<16xf32> to vector<16xf32>
    %swap3A_22 = vector.shape_cast %scan3A_18 : vector<16xf32> to vector<16xf32>
    tpu.vector_store %arg17[%swap3A], %swap3A_22 {strides = array<i32>} : memref<16xf32, #tpu.memory_space<vmem>>, vector<16xf32>,
    "tpu.region"() ({
      %run_scoped3A_23 = tpu.sem_alloc : memref<!tpu.dma_semaphore, #tpu.memory_space<semaphore_mem>>
      %dma_start3A = arith.constant 0 : i32
      %dma_start3A_24 = tpu.memref_slice %arg8[%arg0, %arg1, %dma_start3A] : memref<2x16x16xf32, #tpu.memory_space<hbm>> -> memref<1x1x16xf32, #tpu.memory_space<hbm>>
      %dma_start3A_25 = tpu.memref_squeeze %dma_start3A_24 : memref<1x1x16xf32, #tpu.memory_space<hbm>> -> memref<16xf32, #tpu.memory_space<hbm>>
      %dma_start3A_26 = arith.constant 0 : i32
      %dma_start3A_27 = tpu.memref_slice %arg8[%arg0, %arg1, %dma_start3A_26] : memref<2x16x16xf32, #tpu.memory_space<hbm>> -> memref<1x1x16xf32, #tpu.memory_space<hbm>>
      %dma_start3A_28 = tpu.memref_squeeze %dma_start3A_27 : memref<1x1x16xf32, #tpu.memory_space<hbm>> -> memref<16xf32, #tpu.memory_space<hbm>>
      tpu.enqueue_dma source(%arg17 : memref<16xf32, #tpu.memory_space<vmem>>) target(%dma_start3A_28 : memref<16xf32, #tpu.memory_space<hbm>>) target_semaphore(%run_scoped3A_23 : memref<!tpu.dma_semaphore, #tpu.memory_space<semaphore_mem>>)
      %dma_wait3A = arith.constant 0 : i32
      %dma_wait3A_29 = tpu.memref_slice %arg8[%arg0, %arg1, %dma_wait3A] : memref<2x16x16xf32, #tpu.memory_space<hbm>> -> memref<1x1x16xf32, #tpu.memory_space<hbm>>
      %dma_wait3A_30 = tpu.memref_squeeze %dma_wait3A_29 : memref<1x1x16xf32, #tpu.memory_space<hbm>> -> memref<16xf32, #tpu.memory_space<hbm>>
      %dma_wait3A_31 = arith.constant 0 : i32
      %dma_wait3A_32 = tpu.memref_slice %arg8[%arg0, %arg1, %dma_wait3A_31] : memref<2x16x16xf32, #tpu.memory_space<hbm>> -> memref<1x1x16xf32, #tpu.memory_space<hbm>>
      %dma_wait3A_33 = tpu.memref_squeeze %dma_wait3A_32 : memref<1x1x16xf32, #tpu.memory_space<hbm>> -> memref<16xf32, #tpu.memory_space<hbm>>
      tpu.wait_dma2 semaphore(%run_scoped3A_23 : memref<!tpu.dma_semaphore, #tpu.memory_space<semaphore_mem>>) src(%arg17 : memref<16xf32, #tpu.memory_space<vmem>>) dst(%dma_wait3A_33 : memref<16xf32, #tpu.memory_space<hbm>>)
      tpu.yield
    }) : () -> ()
    "tpu.region"() ({
      %run_scoped3A_23 = tpu.sem_alloc : memref<!tpu.dma_semaphore, #tpu.memory_space<semaphore_mem>>
      %dma_start3A = arith.constant 0 : i32
      %dma_start3A_24 = tpu.memref_slice %arg9[%arg0, %arg1, %dma_start3A] : memref<2x16x2048xf32, #tpu.memory_space<hbm>> -> memref<1x1x2048xf32, #tpu.memory_space<hbm>>
      %dma_start3A_25 = tpu.memref_squeeze %dma_start3A_24 : memref<1x1x2048xf32, #tpu.memory_space<hbm>> -> memref<2048xf32, #tpu.memory_space<hbm>>
      %dma_start3A_26 = arith.constant 0 : i32
      %dma_start3A_27 = tpu.memref_slice %arg9[%arg0, %arg1, %dma_start3A_26] : memref<2x16x2048xf32, #tpu.memory_space<hbm>> -> memref<1x1x2048xf32, #tpu.memory_space<hbm>>
      %dma_start3A_28 = tpu.memref_squeeze %dma_start3A_27 : memref<1x1x2048xf32, #tpu.memory_space<hbm>> -> memref<2048xf32, #tpu.memory_space<hbm>>
      tpu.enqueue_dma source(%arg16 : memref<2048xf32, #tpu.memory_space<vmem>>) target(%dma_start3A_28 : memref<2048xf32, #tpu.memory_space<hbm>>) target_semaphore(%run_scoped3A_23 : memref<!tpu.dma_semaphore, #tpu.memory_space<semaphore_mem>>)
      %dma_wait3A = arith.constant 0 : i32
      %dma_wait3A_29 = tpu.memref_slice %arg9[%arg0, %arg1, %dma_wait3A] : memref<2x16x2048xf32, #tpu.memory_space<hbm>> -> memref<1x1x2048xf32, #tpu.memory_space<hbm>>
      %dma_wait3A_30 = tpu.memref_squeeze %dma_wait3A_29 : memref<1x1x2048xf32, #tpu.memory_space<hbm>> -> memref<2048xf32, #tpu.memory_space<hbm>>
      %dma_wait3A_31 = arith.constant 0 : i32
      %dma_wait3A_32 = tpu.memref_slice %arg9[%arg0, %arg1, %dma_wait3A_31] : memref<2x16x2048xf32, #tpu.memory_space<hbm>> -> memref<1x1x2048xf32, #tpu.memory_space<hbm>>
      %dma_wait3A_33 = tpu.memref_squeeze %dma_wait3A_32 : memref<1x1x2048xf32, #tpu.memory_space<hbm>> -> memref<2048xf32, #tpu.memory_space<hbm>>
      tpu.wait_dma2 semaphore(%run_scoped3A_23 : memref<!tpu.dma_semaphore, #tpu.memory_space<semaphore_mem>>) src(%arg16 : memref<2048xf32, #tpu.memory_space<vmem>>) dst(%dma_wait3A_33 : memref<2048xf32, #tpu.memory_space<hbm>>)
      tpu.yield
    }) : () -> ()
    return
  }
}

module attributes {stable_mosaic.version = 14 : i64} {
  func.func @_merge_kernel(%arg0: memref<1x1xf32, #tpu.memory_space<vmem>>, %arg1: memref<1x1xf32, #tpu.memory_space<vmem>>, %arg2: memref<2x16x16xf32, #tpu.memory_space<vmem>>, %arg3: memref<2x16x2048xf32, #tpu.memory_space<vmem>>, %arg4: memref<1x1xf32, #tpu.memory_space<vmem>>, %arg5: memref<1x1xf32, #tpu.memory_space<vmem>>) attributes {dimension_semantics = [], scalar_prefetch = 0 : i64, scratch_operands = 0 : i64, tpu.core_type = #tpu.core_type<tc>} {
    %get3A = arith.constant 0 : index
    %get3A_0 = arith.constant 0 : index
    %get3A_1 = arith.constant 0 : index
    %get3A_2 = vector.load %arg2[%get3A, %get3A_0, %get3A_1] : memref<2x16x16xf32, #tpu.memory_space<vmem>>, vector<2x16x16xf32>
    %get3A_3 = arith.constant 0 : index
    %get3A_4 = arith.constant 0 : index
    %get3A_5 = arith.constant 0 : index
    %get3A_6 = vector.load %arg3[%get3A_3, %get3A_4, %get3A_5] : memref<2x16x2048xf32, #tpu.memory_space<vmem>>, vector<2x16x2048xf32>
    %slice3A = vector.extract_strided_slice %get3A_2 {offsets = [0, 0, 0], sizes = [2, 16, 1], strides = [1, 1, 1]} : vector<2x16x16xf32> to vector<2x16x1xf32>
    %reduce_sum3A = vector.shape_cast %slice3A : vector<2x16x1xf32> to vector<1x2x16x1xf32>
    %reduce_sum3A_7 = arith.constant dense<0.000000e+00> : vector<1xf32>
    %reduce_sum3A_8 = vector.multi_reduction <add>, %reduce_sum3A, %reduce_sum3A_7 [1, 2, 3] : vector<1x2x16x1xf32> to vector<1xf32>
    %reduce_sum3A_9 = vector.shape_cast %reduce_sum3A_8 : vector<1xf32> to vector<1x1x1x1xf32>
    %reduce_sum3A_10 = vector.extract %reduce_sum3A_9[0, 0, 0, 0] : f32 from vector<1x1x1x1xf32>
    %reduce_min3A = arith.constant dense<0x7F800000> : vector<2048xf32>
    %reduce_min3A_11 = vector.multi_reduction <minimumf>, %get3A_6, %reduce_min3A [0, 1] : vector<2x16x2048xf32> to vector<2048xf32>
    %reduce_sum3A_12 = vector.shape_cast %reduce_min3A_11 : vector<2048xf32> to vector<1x2048xf32>
    %reduce_sum3A_13 = arith.constant dense<0.000000e+00> : vector<1xf32>
    %reduce_sum3A_14 = vector.multi_reduction <add>, %reduce_sum3A_12, %reduce_sum3A_13 [1] : vector<1x2048xf32> to vector<1xf32>
    %reduce_sum3A_15 = vector.shape_cast %reduce_sum3A_14 : vector<1xf32> to vector<1x1xf32>
    %reduce_sum3A_16 = vector.extract %reduce_sum3A_15[0, 0] : f32 from vector<1x1xf32>
    %get3A_17 = arith.constant 0 : index
    %get3A_18 = arith.constant 0 : index
    %get3A_19 = vector.load %arg0[%get3A_17, %get3A_18] : memref<1x1xf32, #tpu.memory_space<vmem>>, vector<1x1xf32>
    %add3A = vector.broadcast %reduce_sum3A_10 : f32 to vector<1x1xf32>
    %add3A_20 = arith.addf %get3A_19, %add3A : vector<1x1xf32>
    %mul3A = arith.constant 1.22070313E-4 : f32
    %mul3A_21 = vector.broadcast %mul3A : f32 to vector<1x1xf32>
    %mul3A_22 = arith.mulf %add3A_20, %mul3A_21 : vector<1x1xf32>
    %swap3A = arith.constant 0 : index
    %swap3A_23 = arith.constant 0 : index
    %swap3A_24 = vector.load %arg4[%swap3A, %swap3A_23] : memref<1x1xf32, #tpu.memory_space<vmem>>, vector<1x1xf32>
    tpu.vector_store %arg4[%swap3A, %swap3A_23], %mul3A_22 {strides = array<i32>} : memref<1x1xf32, #tpu.memory_space<vmem>>, vector<1x1xf32>,
    %get3A_25 = arith.constant 0 : index
    %get3A_26 = arith.constant 0 : index
    %get3A_27 = vector.load %arg1[%get3A_25, %get3A_26] : memref<1x1xf32, #tpu.memory_space<vmem>>, vector<1x1xf32>
    %add3A_28 = vector.broadcast %reduce_sum3A_16 : f32 to vector<1x1xf32>
    %add3A_29 = arith.addf %get3A_27, %add3A_28 : vector<1x1xf32>
    %mul3A_30 = arith.constant 1.22070313E-4 : f32
    %mul3A_31 = vector.broadcast %mul3A_30 : f32 to vector<1x1xf32>
    %mul3A_32 = arith.mulf %add3A_29, %mul3A_31 : vector<1x1xf32>
    %swap3A_33 = arith.constant 0 : index
    %swap3A_34 = arith.constant 0 : index
    %swap3A_35 = vector.load %arg5[%swap3A_33, %swap3A_34] : memref<1x1xf32, #tpu.memory_space<vmem>>, vector<1x1xf32>
    tpu.vector_store %arg5[%swap3A_33, %swap3A_34], %mul3A_32 {strides = array<i32>} : memref<1x1xf32, #tpu.memory_space<vmem>>, vector<1x1xf32>,
    return
  }
}

module attributes {stable_mosaic.version = 14 : i64} {
  func.func @_tc_pair_kernel(%arg0: i32, %arg1: memref<1x2048x3xf32, #tpu.memory_space<vmem>>, %arg2: memref<1x2048x3xf32, #tpu.memory_space<vmem>>, %arg3: memref<1x1xf32, #tpu.memory_space<vmem>>, %arg4: memref<1x1xf32, #tpu.memory_space<vmem>>) attributes {dimension_semantics = [#tpu.dimension_semantics<arbitrary>], iteration_bounds = array<i64: 3>, scalar_prefetch = 0 : i64, scratch_operands = 0 : i64, tpu.core_type = #tpu.core_type<tc>, window_params = [{transform_indices = @transform_0, window_bounds = array<i64: 1, 2048, 3>}, {transform_indices = @transform_1, window_bounds = array<i64: 1, 2048, 3>}, {pipeline_mode = #tpu.pipeline_mode<synchronous>, transform_indices = @transform_2, window_bounds = array<i64: 1, 1>}, {pipeline_mode = #tpu.pipeline_mode<synchronous>, transform_indices = @transform_3, window_bounds = array<i64: 1, 1>}]} {
    %get3A = arith.constant 0 : index
    %get3A_0 = arith.constant 0 : index
    %get3A_1 = arith.constant 0 : index
    %get3A_2 = vector.load %arg1[%get3A, %get3A_0, %get3A_1] : memref<1x2048x3xf32, #tpu.memory_space<vmem>>, vector<1x2048x3xf32>
    %get3A_3 = vector.shape_cast %get3A_2 : vector<1x2048x3xf32> to vector<2048x3xf32>
    %get3A_4 = arith.constant 0 : index
    %get3A_5 = arith.constant 0 : index
    %get3A_6 = arith.constant 0 : index
    %get3A_7 = vector.load %arg2[%get3A_4, %get3A_5, %get3A_6] : memref<1x2048x3xf32, #tpu.memory_space<vmem>>, vector<1x2048x3xf32>
    %get3A_8 = vector.shape_cast %get3A_7 : vector<1x2048x3xf32> to vector<2048x3xf32>
    %transpose3A = tpu.transpose %get3A_8, [1, 0] : vector<2048x3xf32> -> vector<3x2048xf32>
    %slice3A = vector.extract_strided_slice %get3A_3 {offsets = [0, 0], sizes = [2048, 1], strides = [1, 1]} : vector<2048x3xf32> to vector<2048x1xf32>
    %slice3A_9 = vector.extract_strided_slice %get3A_3 {offsets = [0, 1], sizes = [2048, 1], strides = [1, 1]} : vector<2048x3xf32> to vector<2048x1xf32>
    %slice3A_10 = vector.extract_strided_slice %get3A_3 {offsets = [0, 2], sizes = [2048, 1], strides = [1, 1]} : vector<2048x3xf32> to vector<2048x1xf32>
    %slice3A_11 = vector.extract_strided_slice %transpose3A {offsets = [0, 0], sizes = [1, 2048], strides = [1, 1]} : vector<3x2048xf32> to vector<1x2048xf32>
    %slice3A_12 = vector.extract_strided_slice %transpose3A {offsets = [1, 0], sizes = [1, 2048], strides = [1, 1]} : vector<3x2048xf32> to vector<1x2048xf32>
    %slice3A_13 = vector.extract_strided_slice %transpose3A {offsets = [2, 0], sizes = [1, 2048], strides = [1, 1]} : vector<3x2048xf32> to vector<1x2048xf32>
    %sub3A = vector.broadcast %slice3A : vector<2048x1xf32> to vector<2048x2048xf32>
    %sub3A_14 = vector.broadcast %slice3A_11 : vector<1x2048xf32> to vector<2048x2048xf32>
    %sub3A_15 = arith.subf %sub3A, %sub3A_14 : vector<2048x2048xf32>
    %sub3A_16 = vector.broadcast %slice3A_9 : vector<2048x1xf32> to vector<2048x2048xf32>
    %sub3A_17 = vector.broadcast %slice3A_12 : vector<1x2048xf32> to vector<2048x2048xf32>
    %sub3A_18 = arith.subf %sub3A_16, %sub3A_17 : vector<2048x2048xf32>
    %sub3A_19 = vector.broadcast %slice3A_10 : vector<2048x1xf32> to vector<2048x2048xf32>
    %sub3A_20 = vector.broadcast %slice3A_13 : vector<1x2048xf32> to vector<2048x2048xf32>
    %sub3A_21 = arith.subf %sub3A_19, %sub3A_20 : vector<2048x2048xf32>
    %mul3A = arith.mulf %sub3A_15, %sub3A_15 : vector<2048x2048xf32>
    %mul3A_22 = arith.mulf %sub3A_18, %sub3A_18 : vector<2048x2048xf32>
    %add3A = arith.addf %mul3A, %mul3A_22 : vector<2048x2048xf32>
    %mul3A_23 = arith.mulf %sub3A_21, %sub3A_21 : vector<2048x2048xf32>
    %add3A_24 = arith.addf %add3A, %mul3A_23 : vector<2048x2048xf32>
    %reduce_min3A = arith.constant dense<0x7F800000> : vector<2048xf32>
    %reduce_min3A_25 = vector.multi_reduction <minimumf>, %add3A_24, %reduce_min3A [1] : vector<2048x2048xf32> to vector<2048xf32>
    %broadcast_in_dim3A = vector.shape_cast %reduce_min3A_25 : vector<2048xf32> to vector<2048x1xf32>
    %reduce_min3A_26 = arith.constant dense<0x7F800000> : vector<2048xf32>
    %reduce_min3A_27 = vector.multi_reduction <minimumf>, %add3A_24, %reduce_min3A_26 [0] : vector<2048x2048xf32> to vector<2048xf32>
    %broadcast_in_dim3A_28 = vector.shape_cast %reduce_min3A_27 : vector<2048xf32> to vector<1x2048xf32>
    %reduce_sum3A = arith.constant dense<0.000000e+00> : vector<1xf32>
    %reduce_sum3A_29 = vector.multi_reduction <add>, %broadcast_in_dim3A, %reduce_sum3A [0] : vector<2048x1xf32> to vector<1xf32>
    %broadcast_in_dim3A_30 = vector.shape_cast %reduce_sum3A_29 : vector<1xf32> to vector<1x1xf32>
    %reduce_sum3A_31 = arith.constant dense<0.000000e+00> : vector<1xf32>
    %reduce_sum3A_32 = vector.multi_reduction <add>, %broadcast_in_dim3A_28, %reduce_sum3A_31 [1] : vector<1x2048xf32> to vector<1xf32>
    %broadcast_in_dim3A_33 = vector.shape_cast %reduce_sum3A_32 : vector<1xf32> to vector<1x1xf32>
    %eq3A = arith.constant 0 : i32
    %eq3A_34 = arith.cmpi eq, %arg0, %eq3A : i32
    %convert_element_type3A = arith.extui %eq3A_34 : i1 to i32
    %cond3A = arith.constant 0 : i32
    %cond3A_35 = arith.cmpi ne, %convert_element_type3A, %cond3A : i32
    scf.if %cond3A_35 {
      %broadcast_in_dim3A_49 = arith.constant 0.000000e+00 : f32
      %broadcast_in_dim3A_50 = vector.broadcast %broadcast_in_dim3A_49 : f32 to vector<1x1xf32>
      %swap3A_51 = arith.constant 0 : index
      %swap3A_52 = arith.constant 0 : index
      %swap3A_53 = vector.load %arg3[%swap3A_51, %swap3A_52] : memref<1x1xf32, #tpu.memory_space<vmem>>, vector<1x1xf32>
      tpu.vector_store %arg3[%swap3A_51, %swap3A_52], %broadcast_in_dim3A_50 {strides = array<i32>} : memref<1x1xf32, #tpu.memory_space<vmem>>, vector<1x1xf32>,
      %broadcast_in_dim3A_54 = arith.constant 0.000000e+00 : f32
      %broadcast_in_dim3A_55 = vector.broadcast %broadcast_in_dim3A_54 : f32 to vector<1x1xf32>
      %swap3A_56 = arith.constant 0 : index
      %swap3A_57 = arith.constant 0 : index
      %swap3A_58 = vector.load %arg4[%swap3A_56, %swap3A_57] : memref<1x1xf32, #tpu.memory_space<vmem>>, vector<1x1xf32>
      tpu.vector_store %arg4[%swap3A_56, %swap3A_57], %broadcast_in_dim3A_55 {strides = array<i32>} : memref<1x1xf32, #tpu.memory_space<vmem>>, vector<1x1xf32>,
    } else {
    }
    %get3A_36 = arith.constant 0 : index
    %get3A_37 = arith.constant 0 : index
    %get3A_38 = vector.load %arg3[%get3A_36, %get3A_37] : memref<1x1xf32, #tpu.memory_space<vmem>>, vector<1x1xf32>
    %add3A_39 = arith.addf %get3A_38, %broadcast_in_dim3A_30 : vector<1x1xf32>
    %swap3A = arith.constant 0 : index
    %swap3A_40 = arith.constant 0 : index
    %swap3A_41 = vector.load %arg3[%swap3A, %swap3A_40] : memref<1x1xf32, #tpu.memory_space<vmem>>, vector<1x1xf32>
    tpu.vector_store %arg3[%swap3A, %swap3A_40], %add3A_39 {strides = array<i32>} : memref<1x1xf32, #tpu.memory_space<vmem>>, vector<1x1xf32>,
    %get3A_42 = arith.constant 0 : index
    %get3A_43 = arith.constant 0 : index
    %get3A_44 = vector.load %arg4[%get3A_42, %get3A_43] : memref<1x1xf32, #tpu.memory_space<vmem>>, vector<1x1xf32>
    %add3A_45 = arith.addf %get3A_44, %broadcast_in_dim3A_33 : vector<1x1xf32>
    %swap3A_46 = arith.constant 0 : index
    %swap3A_47 = arith.constant 0 : index
    %swap3A_48 = vector.load %arg4[%swap3A_46, %swap3A_47] : memref<1x1xf32, #tpu.memory_space<vmem>>, vector<1x1xf32>
    tpu.vector_store %arg4[%swap3A_46, %swap3A_47], %add3A_45 {strides = array<i32>} : memref<1x1xf32, #tpu.memory_space<vmem>>, vector<1x1xf32>,
    return
  }
  func.func @transform_0(%arg0: i32) -> (i32, i32, i32) {
    %c0_i32 = arith.constant 0 : i32
    %c0_i32_0 = arith.constant 0 : i32
    %c0_i32_1 = arith.constant 0 : i32
    return %arg0, %c0_i32, %c0_i32_0 : i32, i32, i32
  }
  func.func @transform_1(%arg0: i32) -> (i32, i32, i32) {
    %c0_i32 = arith.constant 0 : i32
    %c0_i32_0 = arith.constant 0 : i32
    %c0_i32_1 = arith.constant 0 : i32
    return %arg0, %c0_i32, %c0_i32_0 : i32, i32, i32
  }
  func.func @transform_2(%arg0: i32) -> (i32, i32) {
    %c0_i32 = arith.constant 0 : i32
    %c0_i32_0 = arith.constant 0 : i32
    %c0_i32_1 = arith.constant 0 : i32
    return %c0_i32, %c0_i32_0 : i32, i32
  }
  func.func @transform_3(%arg0: i32) -> (i32, i32) {
    %c0_i32 = arith.constant 0 : i32
    %c0_i32_0 = arith.constant 0 : i32
    %c0_i32_1 = arith.constant 0 : i32
    return %c0_i32, %c0_i32_0 : i32, i32
  }
}

</mosaic_0001>

<sc_bundles>
// kernel: kernel.5.cloned.1.call-start
scs
__scs_entry_jumppad:
0x0: {  	(pc) =	sbr.rel $0x88, $3  }
0x1: {  	(tag) =	ssettag $0x0;
	lr =	simm.s32 $0x1  }
0x2: {  	[smem:$0x3F9F] =	sst lr;
	_ =	strace $0xD0000000  }
0x3: {  	_ = 	snop  }
0x4: {  	_ = 	snop  }
0x5: {  	_ = 	snop  }
0x6: {  	_ = 	snop  }
0x7: {  	_ = 	snop  }
__scs_overlays_trampoline_lowered:
0x8: {  	[smem:$0x3FAE] =	sst s0  }
0x9: {  	[smem:$0x3FAF] =	sst s1  }
0xa: {  	[smem:$0x3FB0] =	sst s2  }
0xb: {  	[smem:$0x3FB1] =	sst s3  }
0xc: {  	[smem:$0x3FB2] =	sst s4  }
0xd: {  	[smem:$0x3FB3] =	sst s5  }
0xe: {  	[smem:$0x3FB4] =	sst s6  }
0xf: {  	[smem:$0x3FB5] =	sst s7  }
0x10: {  	[smem:$0x3FB6] =	sst s8  }
0x11: {  	[smem:$0x3FB7] =	sst s9;
	s0 =	simm.s32 @!p0 $0x0  }
0x12: {  	s1 =	sld [smem:$0x3F9D];
	s0 =	simm.s32 @p0 $0x1  }
0x13: {  	[smem:$0x3FB8] =	sst s0;
	s0 =	simm.s32 @!p1 $0x0  }
0x14: {  	s2 =	sld [smem:$0x3F9C];
	s0 =	simm.s32 @p1 $0x1  }
0x15: {  	[smem:$0x3FB9] =	sst s0;
	s0 =	simm.s32 @!p2 $0x0  }
0x16: {  	s3 =	sld [smem:$0x3FDB];
	s0 =	simm.s32 @p2 $0x1  }
0x17: {  	s4 =	simm.s32 $0x1BF5;
	[smem:$0x3FBB] =	sst s0  }
0x18: {  	s0 =	sld [smem:$0x3F9E];
	_ =	swait.ge [sflag:s4], $0x0  }
0x19: {  	s7 =	sld [smem:$0x3F9F]  }
0x1a: {  	s8 =	sadd.s32 $0xFFFFE003, lr  }
0x1b: {  	s9 =	sadd.s32 $0xFFFFFEF7, lr;
	s5 =	simm.s32 $0xFFFFFFFF;
	p2 =	slt.u32 s8, $0xFFFFF086  }
0x1c: {  	p1 =	slt.u32 s9, $0xF7A;
	s5 =	simm.s32 @!p2 $0x0  }
0x1d: {  	s5 =	simm.s32 @p1 $0x1;
	p0 =	seq.s32 s7, s2  }
0x1e: {  	s7 =	smul.u32 @!p0 $0xF7A, s2;
	p2 =	seq.s32 @!p0 s5, $0x0  }
0x1f: {  	s9 =	smul.u32 $0xF7A, s1;
	s8 =	simm.s32 @!p0 $0x1BF5;
	p2 =	por !p2, p0  }
0x20: {  	[sflag:s8] =	ssyncset.s32 @!p0 $0xFFFFF086;
	s6 =	sadd.s32 @!p0 s3, s7;
	s7 =	simm.s32 @!p0 $0x108  }
0x21: {  	s3 =	sadd.s32 s3, s9;
	s6 =	sadd.s32 @!p0 $0x88, s6;
	s7 =	simm.s32 @p2 $0x1082  }
0x22: {  	[simem:s7], [sflag:s8] =	dma.local @!p0 [hbm:s6], $0xF7A  }
0x23: {  	s9 =	sor.u32 $0xD0000000, s2;
	s6 =	simm.s32 $0x108;
	_ =	swait.ge @!p0 [sflag:s8], $0x0  }
0x24: {  	s3 =	sadd.s32 $0x88, s3;
	s6 =	simm.s32 @!p1 $0x1082;
	[sflag:s4] =	ssyncset.s32 $0xFFFFF086  }
0x25: {  	[simem:s6], [sflag:s4] =	dma.local [hbm:s3], $0xF7A  }
0x26: {  	[smem:$0x3F9F] =	sst s1;
	(tag) =	ssettag s2;
	_ =	strace s9  }
0x27: {  	s1 =	sld [smem:$0x3FAF]  }
0x28: {  	s2 =	sld [smem:$0x3FB0]  }
0x29: {  	s4 =	sld [smem:$0x3FB2]  }
0x2a: {  	p0 =	seq.s32 s5, $0x0;
	s5 =	sld [smem:$0x3FB3]  }
0x2b: {  	s6 =	sld [smem:$0x3FB4]  }
0x2c: {  	s7 =	sld [smem:$0x3FB5]  }
0x2d: {  	s3 =	simm.s32 $0x108;
	s8 =	sld [smem:$0x3FB6]  }
0x2e: {  	s3 =	simm.s32 @!p0 $0x1082;
	s9 =	sld [smem:$0x3FB7]  }
0x2f: {  	lr =	sadd.s32 s0, s3;
	s0 =	sld [smem:$0x3FAE]  }
0x30: {  	s3 =	sld [smem:$0x3FB1]  }
0x31: {  	[smem:$0x3FBA] =	sst s10  }
0x32: {  	s10 =	sld [smem:$0x3FB8];
	_ =	sdelay $0x3  }
0x33: {  	p0 =	seq.s32 s10, $0x1;
	s10 =	sld [smem:$0x3FBA];
	_ =	sdelay $0x3  }
0x34: {  	[smem:$0x3FBA] =	sst s10  }
0x35: {  	s10 =	sld [smem:$0x3FB9];
	_ =	sdelay $0x3  }
0x36: {  	p1 =	seq.s32 s10, $0x1;
	s10 =	sld [smem:$0x3FBA];
	_ =	sdelay $0x3  }
0x37: {  	[smem:$0x3FBA] =	sst s10  }
0x38: {  	s10 =	sld [smem:$0x3FBB]  }
0x39: {  	_ = 	snop;
	(pc) =	sbr.ind lr, $3  }
0x3a: {  	_ = 	snop  }
0x3b: {  	_ = 	snop  }
0x3c: {  	p2 =	seq.s32 s10, $0x1;
	s10 =	sld [smem:$0x3FBA]  }
0x3d: {  	_ =	shalt  }
0x3e: {  	_ =	shalt  }
0x3f: {  	_ =	shalt  }
0x40: {  	_ =	shalt  }
0x41: {  	_ =	shalt  }
0x42: {  	_ =	shalt  }
0x43: {  	_ =	shalt  }
0x44: {  	_ =	shalt  }
0x45: {  	_ =	shalt  }
0x46: {  	_ =	shalt  }
0x47: {  	_ =	shalt  }
0x48: {  	_ =	shalt  }
0x49: {  	_ =	shalt  }
0x4a: {  	_ =	shalt  }
0x4b: {  	_ =	shalt  }
0x4c: {  	_ =	shalt  }
0x4d: {  	_ =	shalt  }
0x4e: {  	_ =	shalt  }
0x4f: {  	_ =	shalt  }
0x50: {  	_ =	shalt  }
0x51: {  	_ =	shalt  }
0x52: {  	_ =	shalt  }
0x53: {  	_ =	shalt  }
0x54: {  	_ =	shalt  }
0x55: {  	_ =	shalt  }
0x56: {  	_ =	shalt  }
0x57: {  	_ =	shalt  }
0x58: {  	_ =	shalt  }
0x59: {  	_ =	shalt  }
0x5a: {  	_ =	shalt  }
0x5b: {  	_ =	shalt  }
0x5c: {  	_ =	shalt  }
0x5d: {  	_ =	shalt  }
0x5e: {  	_ =	shalt  }
0x5f: {  	_ =	shalt  }
0x60: {  	_ =	shalt  }
0x61: {  	_ =	shalt  }
0x62: {  	_ =	shalt  }
0x63: {  	_ =	shalt  }
0x64: {  	_ =	shalt  }
0x65: {  	_ =	shalt  }
0x66: {  	_ =	shalt  }
0x67: {  	_ =	shalt  }
0x68: {  	_ =	shalt  }
0x69: {  	_ =	shalt  }
0x6a: {  	_ =	shalt  }
0x6b: {  	_ =	shalt  }
0x6c: {  	_ =	shalt  }
0x6d: {  	_ =	shalt  }
0x6e: {  	_ =	shalt  }
0x6f: {  	_ =	shalt  }
0x70: {  	_ =	shalt  }
0x71: {  	_ =	shalt  }
0x72: {  	_ =	shalt  }
0x73: {  	_ =	shalt  }
0x74: {  	_ =	shalt  }
0x75: {  	_ =	shalt  }
0x76: {  	_ =	shalt  }
0x77: {  	_ =	shalt  }
0x78: {  	_ =	shalt  }
0x79: {  	_ =	shalt  }
0x7a: {  	_ =	shalt  }
0x7b: {  	_ =	shalt  }
0x7c: {  	_ =	shalt  }
0x7d: {  	_ =	shalt  }
0x7e: {  	_ =	shalt  }
0x7f: {  	_ =	shalt  }
0x80: {  	_ =	shalt  }
0x81: {  	_ =	shalt  }
0x82: {  	_ =	shalt  }
0x83: {  	_ =	shalt  }
0x84: {  	_ =	shalt  }
0x85: {  	_ =	shalt  }
0x86: {  	_ =	shalt  }
0x87: {  	_ =	shalt  }
.Lfunc_end0:
.L_simem_size_0:
called_computation_lowered:
.L_overlay_start_0:
0x88: {  	s2 =	sld [smem:$0x3FD9]  }
0x89: {  	s3 =	sld [smem:$0x3FFE];
	_ =	sdelay $0x1  }
0x8a: {  	s1 =	srdreg.scid  }
0x8b: {  	s0 =	sand.u32 $0x1, s1  }
0x8c: {  	s16 =	sshll.u32 s0, $0xA;
	s2 =	sadd.s32 s3, s2  }
0x8d: {  	s2 =	sadd.s32 s2, s16  }
0x8e: {  	[smem:$0x3FC6] =	sst s2  }
0x8f: {  	_ = 	snop  }
0x90: {  	(tm) =	ssettm $0x1  }
0x91: {  	s17 =	sld [smem:$0x3FFB];
	_ =	sdelay $0x3  }
0x92: {  	_ =	strace s17  }
0x93: {  	s2 =	sld [smem:$0x3FFC];
	_ =	sdelay $0x3  }
0x94: {  	_ =	strace s2  }
0x95: {  	s2 =	sld [smem:$0x3FFD];
	_ =	sdelay $0x3  }
0x96: {  	_ =	strace s2  }
0x97: {  	_ =	strace $0x8FFFFFFF  }
0x98: {  	s18 =	sld [smem:$0x3FDB];
	_ =	sdelay $0x1  }
0x99: {  	s19 =	simm.s32 $_scs_section_size  }
0x9a: {  	s4 =	simm.s32 $_size__tile_overlayer_lowered;
	s5 =	simm.s32 $_tile_overlayer_lowered  }
0x9b: {  	s22 =	simm.s32 $0x1BFF;
	s21 =	sshll.u32 s5, $0x1;
	s2 =	sadd.s32 s19, s18  }
0x9c: {  	s6 =	simm.s32 $0x0;
	s20 =	sshll.u32 s4, $0x1;
	s4 =	sadd.s32 s21, s2  }
0x9d: {  	[timem:s6], [sflag:s22] =	dma.local [hbm:s4], s20  }
0x9e: {  	_ =	swait.ge [sflag:s22], s20  }
0x9f: {  	s3 =	ssub.s32 $0x0, s20;
	[sflag:s22] =	ssyncset.done $0x0  }
0xa0: {  	[sflag:s22] =	ssyncadd.s32 s3;
	_ =	sdelay $0x1  }
0xa1: {  	s23 =	simm.s32 $0x1B8B  }
0xa2: {  	_ =	swait.ge [sflag:s23], $0x1  }
0xa3: {  	[sflag:s23] =	ssyncset.done $0x0  }
0xa4: {  	s25 =	simm.s32 $0x1B8E;
	s24 =	sld [smem:$0x3FFE];
	[sflag:s23] =	ssyncadd.s32 $0xFFFFFFFF  }
0xa5: {  	s26 =	simm.s32 $execute0_lowered;
	[smem:$0x3FD2] =	sst s25  }
0xa6: {  	s4 =	sshll.u32 s26, $0x1;
	_ =	strace $0x80000046;
	[dreg:$0x1] =	wrdreg $0xFFFFFFFF  }
0xa7: {  	s28 =	simm.s32 $_size_execute0_lowered;
	s2 =	sadd.s32 s2, s4;
	[dreg:$0x0] =	wrdreg $0x0  }
0xa8: {  	s4 =	sshll.u32 s28, $0x1;
	[dreg:$0x2] =	wrdreg s2  }
0xa9: {  	[dreg:$0x3] =	wrdreg s4  }
0xaa: {  	[dreg:$0x4] =	wrdreg $0xC0  }
0xab: {  	_ =	task [dreg:s6], $0x5FFFF  }
0xac: {  	[dreg:$0x1] =	wrdreg $0xFFFFFFFF  }
0xad: {  	[dreg:$0x0] =	wrdreg $0x60  }
0xae: {  	[dreg:$0x2] =	wrdreg s24  }
0xaf: {  	[dreg:$0x3] =	wrdreg $0x9  }
0xb0: {  	_ =	task.clear_ibuf [dreg:s6], $0x4FFFF;
	_ =	strace $0x90000046  }
0xb1: {  	s29 =	simm.s32 $0x9;
	_ =	strace $0x80000048  }
0xb2: {  	_ =	swait.ge [sflag:s29], $0x1  }
0xb3: {  	[sflag:s29] =	ssyncadd.s32 $0xFFFFFFFF  }
0xb4: {  	_ =	strace $0x90000048  }
0xb5: {  	_ =	sfence  }
0xb6: {  	s30 =	sld [smem:$0x0];
	_ =	sdelay $0x2  }
0xb7: {  	s31 =	sshll.u32 s1, $0xD;
	s1 =	sshrl.u32 s1, $0x2  }
0xb8: {  	s3 =	sand.u32 $0x4000, s31;
	s1 =	sadd.s32 s1, s30  }
0xb9: {  	s0 =	sor.u32 s3, s0;
	s1 =	sshll.u32 s1, $0x11  }
0xba: {  	s0 =	sor.u32 s1, s0  }
0xbb: {  	s0 =	sadd.s32 $0x8F2B, s0  }
0xbc: {  	[sflag:s0] =	ssyncadd.remote.s32 $0x1  }
0xbd: {  	_ =	sfence.sel $0xFFFF  }
0xbe: {  	[dreg:$0x0] =	wrdreg $0xFFFFFFFF;
	(pc) =	sbr.abs _section_cstart, $3  }
0xbf: {  	[dreg:$0x1] =	wrdreg $0xFFFFFFFF  }
0xc0: {  	_ =	task.clear_ibuf [dreg:s6], $0x2FFFF;
	_ =	strace $0x9FFFFFFF  }
0xc1: {  	(tm) =	ssettm $0x7FFFFFFF  }
tec
execute0_lowered:
.L_overlay_start_1:
0x0: {  	(tag) =	ssettag $0x1  }
0x1: {  	s5 =	rddreg [dreg:$0x0];
	s2 =	srdreg.scid  }
0x2: {  	s0 =	rddreg [dreg:$0x1];
	s1 =	stileid.u32  }
0x3: {  	s12 =	simm.s32 $0x80;
	s13 =	simm.s32 $0x200;
	s14 =	simm.s32 $0x1  }
0x4: {  	s15 =	simm.s32 $0x800;
	s16 =	simm.s32 $0x1000;
	s17 =	simm.s32 $0x1800  }
0x5: {  	s18 =	simm.s32 $0x1880;
	s19 =	simm.s32 $0x1900;
	s20 =	simm.s32 $0x2180  }
0x6: {  	s21 =	simm.s32 $0x400;
	s22 =	simm.s32 $0x1980;
	s23 =	simm.s32 $0x0  }
0x7: {  	v0 =	vimm.s32 $0xFEDCBA98;
	v1 =	vimm.s32 $0x76543210;
	s3 =	sand.u32 $0x1, s2;
	s4 =	sshll.u32 s1, $0x3;
	s7 =	sshll.u32 s1, $0x5  }
0x8: {  	v2 =	vimm.s32 $0xBA98FEDC;
	v3 =	vimm.s32 $0x32107654;
	v4 =	vimm.s32 $0xDCFE98BA;
	s2 =	simm.s32 $0x0;
	s24 =	sshrl.u32 s1, $0x3;
	s9 =	sshll.u32 s1, $0x7  }
0x9: {  	v5 =	vimm.s32 $0x54761032;
	v6 =	vimm.s32 $0xEFCDAB89;
	s6 =	sshll.u32 s3, $0x9;
	s4 =	sand.u32 $0x8, s4;
	[smem:$0x7FF] =	sst s2  }
0xa: {  	v7 =	vimm.s32 $0x67452301;
	s25 =	sshll.u32 s3, $0xB;
	s26 =	sshll.u32 s24, $0xA;
	s10 =	sshll.u32 s3, $0xF  }
0xb: {  	v0 =	vunpack.c.l.s4.s8 v0;
	v1 =	vunpack.c.l.s4.s8 v1;
	v2 =	vunpack.c.l.s4.s8 v2;
	s28 =	sand.u32 $0x380, s9;
	s3 =	ssub.s32 $0x2, s3;
	s6 =	sor.u32 s7, s6  }
0xc: {  	v3 =	vunpack.c.l.s4.s8 v3;
	v4 =	vunpack.c.l.s4.s8 v4;
	v5 =	vunpack.c.l.s4.s8 v5;
	_ =	strace $0x80000047;
	s29 =	sshrl.u32 s3, $0x1;
	s4 =	sor.u32 s4, s6  }
0xd: {  	v6 =	vunpack.c.l.s4.s8 v6;
	v7 =	vunpack.c.l.s4.s8 v7;
	v0 =	vunpack.c.0.s8.s32 v0;
	s6 =	sshll.u32 s24, $0xE;
	s11 =	ssub.s32 s3, s29;
	s3 =	sadd.s32 $0x1C30, s5  }
0xe: {  	v2 =	vunpack.c.0.s8.s32 v2;
	v3 =	vunpack.c.0.s8.s32 v3;
	v4 =	vunpack.c.0.s8.s32 v4;
	s4 =	sor.u32 $0x30, s4;
	s6 =	sor.u32 s10, s6;
	s11 =	smax.u32 s11, $0x1  }
0xf: {  	v5 =	vunpack.c.0.s8.s32 v5;
	v6 =	vunpack.c.0.s8.s32 v6;
	v7 =	vunpack.c.0.s8.s32 v7;
	s8 =	sadd.s32 s4, s5;
	s4 =	sor.u32 s25, s26;
	s6 =	sor.u32 s28, s6  }
0x10: {  	v1 =	vunpack.c.0.s8.s32 v1;
	v2 =	vcombine.low v3, v2;
	s4 =	sor.u32 s28, s4;
	s6 =	sshrl.u32 s6, $0x3;
	s7 =	sadd.s32 $0x2400, s8  }
0x11: {  	v3 =	vcombine.low v5, v4;
	v4 =	vand.u32 $0xF, v0;
	v5 =	vcombine.low v7, v6;
	s4 =	sshrl.u32 s4, $0x3;
	s31 =	sadd.s32 s6, s5;
	s6 =	sadd.s32 $0x2000, s8  }
0x12: {  	v0 =	vimm.f32 $3.000000010e+38;
	v1 =	vcombine.low v4, v1;
	s8 =	sadd.s32 $0x2800, s8;
	s30 =	sadd.s32 s4, s5;
	s4 =	sadd.s32 $0x1830, s5  }
0x13: {  	v2 =	vand.u32 $0xF, v2;
	v3 =	vand.u32 $0xF, v3;
	v4 =	vand.u32 $0xF, v5;
	s5 =	sadd.s32 $0x1430, s5;
	s10 =	sadd.s32 $0x2C00, s31;
	s9 =	sadd.s32 $0x4C00, s30  }
.LBB2_1:
0x14: {  	[tilespmem:s2], [sflag:$0x1] =	stream.strided.gather [hbm4b:s3+s12], $0x800, s13, s12, $0x38;
	[tilespmem:$0x2200] =	vst v63  }
0x15: {  	_ =	swait.ge [sflag:s14], $0x800  }
0x16: {  	[sflag:s14] =	ssyncset.done $0x0  }
0x17: {  	[sflag:s14] =	ssyncadd.s32 $0xFFFFF800  }
0x18: {  	[tilespmem:s15], [sflag:$0x1] =	stream.strided.gather [hbm4b:s4+s12], $0x800, s13, s12, $0x38;
	[tilespmem:$0x2200] =	vst v63  }
0x19: {  	_ =	swait.ge [sflag:s14], $0x800  }
0x1a: {  	[sflag:s14] =	ssyncset.done $0x0  }
0x1b: {  	[sflag:s14] =	ssyncadd.s32 $0xFFFFF800  }
0x1c: {  	[tilespmem:s16], [sflag:$0x1] =	stream.strided.gather [hbm4b:s5+s12], $0x800, s13, s12, $0x38;
	[tilespmem:$0x2200] =	vst v63  }
0x1d: {  	_ =	swait.ge [sflag:s14], $0x800  }
0x1e: {  	[sflag:s14] =	ssyncset.done $0x0  }
0x1f: {  	[sflag:s14] =	ssyncadd.s32 $0xFFFFF800  }
0x20: {  	[tilespmem:s17], [sflag:$0x1] =	stream.linear.gather [hbm4b:s6+s2], $0x40, $0x38;
	[tilespmem:$0x2200] =	vst v63  }
0x21: {  	_ =	swait.ge [sflag:s14], $0x40  }
0x22: {  	[sflag:s14] =	ssyncset.done $0x0  }
0x23: {  	[sflag:s14] =	ssyncadd.s32 $0xFFFFFFC0  }
0x24: {  	[tilespmem:s18], [sflag:$0x1] =	stream.linear.gather [hbm4b:s7+s2], $0x40, $0x38;
	[tilespmem:$0x2200] =	vst v63  }
0x25: {  	_ =	swait.ge [sflag:s14], $0x40  }
0x26: {  	[sflag:s14] =	ssyncset.done $0x0  }
0x27: {  	[sflag:s14] =	ssyncadd.s32 $0xFFFFFFC0  }
0x28: {  	[tilespmem:s19], [sflag:$0x1] =	stream.linear.gather [hbm4b:s8+s2], $0x40, $0x38;
	[tilespmem:$0x2200] =	vst v63  }
0x29: {  	_ =	swait.ge [sflag:s14], $0x40  }
0x2a: {  	[sflag:s14] =	ssyncset.done $0x0  }
0x2b: {  	s24 =	simm.s32 $0x0;
	[sflag:s14] =	ssyncadd.s32 $0xFFFFFFC0  }
.LBB2_2:
0x2c: {  	p0 =	sne.s32 s24, $0x1FC0  }
.Ltmp0:
0x2d: {  	_ = 	snop;
	(pc) =	sbr.rel @p0 .LBB2_2-.Ltmp0, $3  }
0x2e: {  	_ =	sdelay $0x1  }
0x2f: {  	s25 =	sshra.s32 s24, $0x2  }
0x30: {  	s24 =	sadd.s32 $0x40, s24;
	[tilespmem:s25+$0x1980] =	vst v0  }
0x31: {  	s24 =	simm.s32 $0x0;
	v5 =	vimm.f32 $0.0e+00  }
.LBB2_4:
0x32: {  	s25 =	sshll.u32 s24, $0x2  }
0x33: {  	s26 =	sand.u32 $0x30, s25  }
0x34: {  	v9 =	vld [tilespmem:s26+$0x1800]  }
0x35: {  	v16 =	vld [tilespmem:s26+$0x1880]  }
0x36: {  	v18 =	vld [tilespmem:s26+$0x1900]  }
0x37: {  	s31 =	sand.u32 $0xC, s25;
	s25 =	simm.s32 $0x0  }
0x38: {  	v19 =	vld [tilespmem:s25+$0x1000]  }
0x39: {  	v6 =	vmov s31;
	s28 =	sor.u32 $0x1, s31;
	v20 =	vld [tilespmem:s25+$0x0]  }
0x3a: {  	v21 =	vld [tilespmem:s25+$0x800];
	s26 =	sor.u32 $0x3, s31;
	v11 =	vmov s28;
	v8 =	vperm.xlane v9, v6;
	v7 =	vperm.xlane v16, v6  }
0x3b: {  	s28 =	sor.u32 $0x2, s31;
	v22 =	vmov s26;
	v14 =	vperm.xlane v18, v6;
	v10 =	vperm.xlane v9, v11  }
0x3c: {  	v12 =	vperm.xlane v16, v11;
	v17 =	vperm.xlane v18, v11;
	v6 =	vmov s28  }
0x3d: {  	v15 =	vperm.xlane v9, v22;
	v13 =	vperm.xlane v9, v6  }
0x3e: {  	v11 =	vperm.xlane v16, v6;
	v23 =	vsub.f32 v14, v19;
	v24 =	vsub.f32 v8, v20  }
0x3f: {  	v6 =	vperm.xlane v18, v6;
	v25 =	vsub.f32 v17, v19;
	v26 =	vsub.f32 v7, v21  }
0x40: {  	v9 =	vperm.xlane v18, v22;
	v27 =	vsub.f32 v10, v20;
	v18 =	vsub.f32 v12, v21  }
0x41: {  	v16 =	vperm.xlane v16, v22;
	v22 =	vsub.f32 v13, v20;
	v28 =	vsub.f32 v11, v21  }
0x42: {  	v20 =	vsub.f32 v15, v20;
	v24 =	vmul.f32 v24, v24;
	v26 =	vmul.f32 v26, v26  }
0x43: {  	v21 =	vsub.f32 v16, v21;
	v27 =	vmul.f32 v27, v27;
	v29 =	vmul.f32 v18, v18  }
0x44: {  	v30 =	vsub.f32 v6, v19;
	v25 =	vmul.f32 v25, v25;
	v22 =	vmul.f32 v22, v22  }
0x45: {  	s26 =	simm.s32 $0x10;
	v28 =	vmul.f32 v28, v28;
	v24 =	vadd.f32 v26, v24;
	v26 =	vadd.f32 v29, v27  }
0x46: {  	v19 =	vsub.f32 v9, v19;
	v18 =	vld [tilespmem:s26+$0x1000];
	v20 =	vmul.f32 v20, v20;
	v21 =	vmul.f32 v21, v21  }
0x47: {  	v23 =	vmul.f32 v23, v23;
	v27 =	vmul.f32 v30, v30;
	v29 =	vadd.f32 v25, v26;
	v25 =	vld [tilespmem:s26+$0x0]  }
0x48: {  	v22 =	vadd.f32 v28, v22;
	v20 =	vadd.f32 v21, v20;
	v21 =	vmul.f32 v19, v19;
	v26 =	vld [tilespmem:s26+$0x800]  }
0x49: {  	v28 =	vadd.f32 v23, v24;
	v24 =	vld [tilespmem:s25+$0x1980]  }
0x4a: {  	v19 =	vimm.f32 $3.000000010e+38;
	v27 =	vadd.f32 v27, v22;
	v20 =	vadd.f32 v21, v20  }
0x4b: {  	v30 =	vsub.f32 v14, v18;
	v21 =	vimm.f32 $3.000000010e+38;
	v23 =	vmin.f32 v19, v28  }
0x4c: {  	s28 =	simm.s32 $0x80;
	v22 =	vmin.f32 v19, v29;
	v28 =	vmin.f32 v28, v29;
	v29 =	vmin.f32 v27, v20  }
.LBB2_5:
0x4d: {  	p0 =	sne.s32 s28, $0x1FC0;
	v31 =	vsub.f32 v8, v25;
	v32 =	vsub.f32 v17, v18;
	v28 =	vmin.f32 v28, v29  }
0x4e: {  	v29 =	vsub.f32 v7, v26;
	v33 =	vsub.f32 v10, v25;
	v24 =	vmin.f32 v24, v28  }
0x4f: {  	v34 =	vsub.f32 v13, v25;
	v19 =	vmin.f32 v19, v27;
	v28 =	vsub.f32 v12, v26;
	[tilespmem:s25+$0x1980] =	vst v24;
	s25 =	smov.u32 s26  }
0x50: {  	v24 =	vmul.f32 v30, v30;
	v27 =	vmul.f32 v32, v32;
	v30 =	vsub.f32 v11, v26  }
0x51: {  	v25 =	vsub.f32 v15, v25;
	v31 =	vmul.f32 v31, v31;
	v29 =	vmul.f32 v29, v29  }
0x52: {  	v32 =	vmul.f32 v33, v33;
	v26 =	vsub.f32 v16, v26;
	v28 =	vmul.f32 v28, v28  }
0x53: {  	s26 =	sshra.s32 s28, $0x2;
	v33 =	vsub.f32 v6, v18;
	v34 =	vmul.f32 v34, v34;
	v30 =	vmul.f32 v30, v30  }
0x54: {  	v35 =	vsub.f32 v9, v18;
	v36 =	vmul.f32 v25, v25;
	v37 =	vmul.f32 v26, v26;
	v18 =	vld [tilespmem:s26+$0x1000]  }
0x55: {  	v29 =	vadd.f32 v29, v31;
	v31 =	vmul.f32 v33, v33;
	v28 =	vadd.f32 v28, v32;
	v25 =	vld [tilespmem:s26+$0x0]  }
.Ltmp1:
0x56: {  	v33 =	vmul.f32 v35, v35;
	v30 =	vadd.f32 v30, v34;
	v32 =	vadd.f32 v37, v36;
	v26 =	vld [tilespmem:s26+$0x800];
	(pc) =	sbr.rel @p0 .LBB2_5-.Ltmp1, $4  }
0x57: {  	v21 =	vmin.f32 v21, v20;
	v29 =	vadd.f32 v24, v29;
	v28 =	vadd.f32 v27, v28;
	v24 =	vld [tilespmem:s25+$0x1980]  }
0x58: {  	v27 =	vadd.f32 v31, v30;
	v20 =	vadd.f32 v33, v32  }
0x59: {  	v23 =	vmin.f32 v23, v29;
	v22 =	vmin.f32 v22, v28  }
0x5a: {  	s28 =	sadd.s32 $0x40, s28;
	v28 =	vmin.f32 v29, v28;
	v29 =	vmin.f32 v27, v20;
	v30 =	vsub.f32 v14, v18  }
0x5b: {  	v8 =	vsub.f32 v8, v25  }
0x5c: {  	v14 =	vsub.f32 v17, v18;
	v7 =	vsub.f32 v7, v26  }
0x5d: {  	v10 =	vsub.f32 v10, v25;
	v12 =	vsub.f32 v12, v26  }
0x5e: {  	v13 =	vsub.f32 v13, v25;
	v11 =	vsub.f32 v11, v26  }
0x5f: {  	v15 =	vsub.f32 v15, v25;
	v8 =	vmul.f32 v8, v8;
	v7 =	vmul.f32 v7, v7  }
0x60: {  	v16 =	vsub.f32 v16, v26;
	v34 =	vmul.f32 v30, v30;
	v14 =	vmul.f32 v14, v14  }
0x61: {  	v10 =	vmul.f32 v10, v10;
	v12 =	vmul.f32 v12, v12;
	v7 =	vadd.f32 v7, v8  }
0x62: {  	v6 =	vsub.f32 v6, v18;
	v35 =	vmul.f32 v13, v13;
	v11 =	vmul.f32 v11, v11  }
0x63: {  	v36 =	vmul.f32 v15, v15;
	v10 =	vadd.f32 v12, v10;
	v7 =	vadd.f32 v34, v7  }
0x64: {  	v9 =	vsub.f32 v9, v18;
	v37 =	vmul.f32 v16, v16;
	v6 =	vmul.f32 v6, v6  }
0x65: {  	v8 =	vadd.f32 v11, v35;
	v10 =	vadd.f32 v14, v10;
	v38 =	vmin.f32 v23, v7  }
0x66: {  	v9 =	vmul.f32 v9, v9;
	v39 =	vperm.xlane v38, v1  }
0x67: {  	v12 =	vadd.f32 v37, v36;
	v6 =	vadd.f32 v6, v8;
	v40 =	vmin.f32 v22, v10  }
0x68: {  	v41 =	vmin.f32 v19, v27;
	v42 =	vperm.xlane v40, v1;
	v11 =	vmin.f32 v38, v39  }
0x69: {  	v9 =	vadd.f32 v9, v12;
	v43 =	vmin.f32 v41, v6;
	v44 =	vperm.xlane v11, v2  }
0x6a: {  	v45 =	vmin.f32 v21, v20;
	v46 =	vperm.xlane v43, v1;
	v8 =	vmin.f32 v40, v42  }
0x6b: {  	v15 =	vmin.f32 v45, v9;
	v47 =	vperm.xlane v8, v2;
	v11 =	vmin.f32 v11, v44  }
0x6c: {  	v49 =	vperm.xlane v15, v1;
	v12 =	vmin.f32 v43, v46;
	v48 =	vperm.xlane v11, v3  }
0x6d: {  	v50 =	vmin.f32 v28, v29;
	v51 =	vperm.xlane v12, v2;
	v8 =	vmin.f32 v8, v47  }
0x6e: {  	v13 =	vmin.f32 v15, v49;
	v52 =	vperm.xlane v8, v3;
	v11 =	vmin.f32 v11, v48  }
0x6f: {  	v54 =	vperm.xlane v13, v2;
	v12 =	vmin.f32 v12, v51;
	v53 =	vperm.xlane v11, v4  }
0x70: {  	v17 =	vmin.f32 v24, v50;
	v55 =	vperm.xlane v12, v3;
	v8 =	vmin.f32 v8, v52  }
0x71: {  	[tilespmem:s25+$0x1980] =	vst v17;
	v13 =	vmin.f32 v13, v54;
	v56 =	vperm.xlane v8, v4;
	v11 =	vmin.f32 v11, v53  }
0x72: {  	s24 =	sadd.s32 $0x1, s24;
	v57 =	vld [tilespmem:s26+$0x1980];
	v59 =	vperm.xlane v13, v3;
	v58 =	vmin.f32 v12, v55;
	v5 =	vadd.f32 v11, v5  }
0x73: {  	p0 =	sne.s32 s24, $0x10;
	v60 =	vperm.xlane v58, v4;
	v8 =	vmin.f32 v8, v56  }
.Ltmp2:
0x74: {  	v7 =	vmin.f32 v7, v10;
	v61 =	vmin.f32 v13, v59;
	v5 =	vadd.f32 v8, v5;
	(pc) =	sbr.rel @p0 .LBB2_4-.Ltmp2, $4  }
0x75: {  	v6 =	vmin.f32 v6, v9;
	v63 =	vperm.xlane v61, v4;
	v62 =	vmin.f32 v58, v60  }
0x76: {  	v6 =	vmin.f32 v7, v6;
	v5 =	vadd.f32 v62, v5  }
0x77: {  	v6 =	vmin.f32 v57, v6;
	v7 =	vmin.f32 v61, v63  }
0x78: {  	[tilespmem:s26+$0x1980] =	vst v6;
	v5 =	vadd.f32 v7, v5  }
0x79: {  	_ = 	snop  }
0x7a: {  	[tilespmem:$0x2180] =	vst v5  }
0x7b: {  	[hbm4b:s9+s2] =	stream.linear.scatter [tilespmem:s20], [sflag:$0x1], $0x80, $0x38;
	[tilespmem:$0x2200] =	vst v63  }
0x7c: {  	s23 =	sadd.s32 $0x1, s23;
	_ =	swait.ge [sflag:s14], $0x80  }
0x7d: {  	p0 =	sne.s32 s23, s11;
	[sflag:s14] =	ssyncset.done $0x0  }
.Ltmp3:
0x7e: {  	[sflag:s14] =	ssyncadd.s32 $0xFFFFFF80;
	(pc) =	sbr.rel @p0 .LBB2_1-.Ltmp3, $4  }
0x7f: {  	[hbm4b:s10+s12] =	stream.strided.scatter [tilespmem:s22], [sflag:$0x1], $0x800, s21, s12, $0x38;
	[tilespmem:$0x2200] =	vst v63  }
0x80: {  	_ =	swait.ge [sflag:s14], $0x800  }
0x81: {  	[sflag:s14] =	ssyncset.done $0x0  }
0x82: {  	[sflag:s14] =	ssyncadd.s32 $0xFFFFF800  }
0x83: {  	_ =	sfence.sel $0x180000  }
0x84: {  	[bflag:$0x0] =	sbarrier.arrive $0xFFFF  }
0x85: {  	p0 =	sne.s32 s1, $0x0;
	_ =	strace $0x90000047  }
0x86: {  	s0 =	sadd.s32 @!p0 $0x100000, s0;
	[bflag:$0x2] =	sbarrier.arrive $0xFFFF  }
0x87: {  	[sflag:s0] =	ssyncadd.tile.s32 @!p0 $0x1;
	_ =	shalt  }
.Lfunc_end2:
_tile_overlayer_lowered:
.L_overlay_start_2:
0x88: {  	(tag) =	ssettag $0x2  }
0x89: {  	s0 =	rddreg [dreg:$0x0];
	s2 =	stileid.u32  }
0x8a: {  	s1 =	rddreg [dreg:$0x1];
	p0 =	sne.s32 s2, $0x0  }
0x8b: {  	s3 =	rddreg [dreg:$0x2];
	[bflag:$0x3] =	sbarrier.arrive $0xFFFF;
	s2 =	simm.s32 @!p0 $0x1C01  }
0x8c: {  	[timem:s3], [sflag:s2] =	dma.local @!p0 [hbm:s0], s1  }
0x8d: {  	s0 =	simm.s32 @!p0 $0x1  }
0x8e: {  	_ =	swait.ge @!p0 [sflag:s0], s1  }
0x8f: {  	s1 =	ssub.s32 @!p0 $0x0, s1;
	[sflag:s0] =	ssyncset.done @!p0 $0x0  }
0x90: {  	[sflag:s0] =	ssyncadd.s32 @!p0 s1  }
0x91: {  	[bflag:$0x3] =	sbarrier.arrive $0xFFFF  }
0x92: {  	_ =	shalt  }

</sc_bundles>
